<compile_context>
chip_gen: v7x
topology: tpu7x:2x2x1
jax: 0.10.2.dev20260603
libtpu: 0.0.44.dev20260713+nightly
codegen_flags: <defaults>
</compile_context>

<pallas_src>
import functools

import jax
import jax.numpy as jnp
from jax import lax
from jax.experimental import pallas as pl
from jax.experimental.pallas import tpu as pltpu
from jax.experimental.pallas import tpu_sc as plsc

NC = 2
NS = 16
NW = NC * NS
LANES = 16


def _body(nchunks, K, MC, E, q_hbm, c_hbm, concept_hbm, que_hbm, out_hbm,
          table_v, cav_v, qrows_v, qidx_v, cidx_v, sem):
    cid = lax.axis_index("c")
    sid = lax.axis_index("s")
    wid = sid * NC + cid
    base_w = wid * (nchunks * K)

    pltpu.sync_copy(concept_hbm, table_v)

    def chunk(g, carry):
        base = base_w + g * K
        pltpu.sync_copy(q_hbm.at[pl.ds(base, K)], qidx_v)
        pltpu.sync_copy(c_hbm.at[:, pl.ds(base, K)], cidx_v)
        cp = pltpu.async_copy(que_hbm.at[qidx_v], qrows_v, sem)

        def group(i, carry2):
            p0 = i * LANES
            prow = lax.iota(jnp.int32, LANES) + p0
            rows = [cidx_v[m, pl.ds(p0, LANES)] for m in range(MC)]
            for d in range(E):
                dcol = jnp.full((LANES,), d, jnp.int32)
                acc = plsc.load_gather(table_v, [rows[0], dcol])
                for m in range(1, MC):
                    acc = acc + plsc.load_gather(table_v, [rows[m], dcol])
                plsc.store_scatter(cav_v, [prow, dcol], acc * (1.0 / MC))
            return carry2

        lax.fori_loop(0, K // LANES, group, 0)
        pltpu.sync_copy(cav_v, out_hbm.at[pl.ds(base, K), pl.ds(0, E)])
        cp.wait()
        pltpu.sync_copy(qrows_v, out_hbm.at[pl.ds(base, K), pl.ds(E, E)])
        return carry

    lax.fori_loop(0, nchunks, chunk, 0)


def kernel(q, c, concept_emb, que_emb_table):
    B, L = q.shape
    MC = c.shape[-1]
    E = concept_emb.shape[-1]
    N = B * L
    assert N % NW == 0
    PW = N // NW
    K = 256
    assert PW % K == 0
    nchunks = PW // K

    qi = jnp.asarray(q, jnp.int32).reshape(N)
    ci = jnp.asarray(c, jnp.int32).reshape(N, MC).T

    mesh = plsc.VectorSubcoreMesh(
        core_axis_name="c", subcore_axis_name="s", num_cores=NC, num_subcores=NS
    )
    kfn = pl.kernel(
        functools.partial(_body, nchunks, K, MC, E),
        out_type=jax.ShapeDtypeStruct((N, 2 * E), jnp.float32),
        mesh=mesh,
        compiler_params=pltpu.CompilerParams(
            needs_layout_passes=False, use_tc_tiling_on_sc=False
        ),
        scratch_types=[
            pltpu.VMEM(concept_emb.shape, jnp.float32),
            pltpu.VMEM((K, E), jnp.float32),
            pltpu.VMEM((K, E), jnp.float32),
            pltpu.VMEM((K,), jnp.int32),
            pltpu.VMEM((MC, K), jnp.int32),
            pltpu.SemaphoreType.DMA,
        ],
    )
    out = kfn(qi, ci, jnp.asarray(concept_emb, jnp.float32),
              jnp.asarray(que_emb_table, jnp.float32))
    return out.reshape(B, L, 2 * E)

# --- scband reference (transcript-rebuilt; emitter-appended) ---
"""Pipeline reference for scband-que-emb-53154515255487 (READ-ONLY COPY).

The authoritative reference and input builder live on the scoring server;
editing this copy changes nothing except your own understanding.
"""

import jax, jax.numpy as jnp
import numpy as np

NUM_Q = 100000
NUM_C = 1000
EMB = 64
B = 1024
L = 200
MC = 4


def setup_inputs(seed: int = 0) -> dict:
    key = jax.random.key(seed)
    k1, k2, k3, k4 = jax.random.split(key, 4)
    q = jax.random.randint(k1, (B, L), 0, NUM_Q)
    c = jax.random.randint(k2, (B, L, MC), 0, NUM_C)
    concept_emb = jax.random.normal(k3, (NUM_C, EMB), dtype=jnp.float32)
    que_emb_table = jax.random.normal(k4, (NUM_Q, EMB), dtype=jnp.float32) * 0.02
    return {"q": q, "c": c, "concept_emb": concept_emb, "que_emb_table": que_emb_table}


def reference(q, c, concept_emb, que_emb_table):
    # emb_type resolves to 'qc_merge' via emb_type_map['akt-iekt']
    emb_size = concept_emb.shape[1]
    # get_avg_skill_emb
    concept_emb_cat = jnp.concatenate(
        [jnp.zeros((1, emb_size), dtype=concept_emb.dtype), concept_emb], axis=0
    )
    related_concepts = (c + 1).astype(jnp.int32)
    concept_emb_sum = jnp.take(concept_emb_cat, related_concepts, axis=0).sum(axis=-2)
    concept_num = (related_concepts != 0).astype(jnp.int32).sum(axis=-1)[..., None]
    concept_num = jnp.where(concept_num == 0, 1, concept_num)
    concept_avg = concept_emb_sum / concept_num.astype(concept_emb.dtype)
    # question embedding lookup
    que_emb = jnp.take(que_emb_table, q, axis=0)
    # qc_merge: concat [concept_avg, que_emb]
    que_c_emb = jnp.concatenate([concept_avg, que_emb], axis=-1)
    return que_c_emb

if __name__ == "__main__":
    import jax
    _d = setup_inputs()
    print(jax.jit(kernel)(*tuple(_d.values())))

</pallas_src>

<mosaic_0001>
#map = affine_map<(d0, d1) -> (0)>
#map1 = affine_map<(d0, d1) -> (0, 0)>
module attributes {stable_mosaic.version = 14 : i64} {
  func.func @_body(%arg0: i32, %arg1: i32, %arg2: memref<204800xi32, #tpu.memory_space<hbm>>, %arg3: memref<4x204800xi32, #tpu.memory_space<hbm>>, %arg4: memref<1000x64xf32, #tpu.memory_space<hbm>>, %arg5: memref<100000x64xf32, #tpu.memory_space<hbm>>, %arg6: memref<204800x128xf32, #tpu.memory_space<hbm>>, %arg7: memref<1000x64xf32, #tpu.memory_space<vmem>>, %arg8: memref<256x64xf32, #tpu.memory_space<vmem>>, %arg9: memref<256x64xf32, #tpu.memory_space<vmem>>, %arg10: memref<256xi32, #tpu.memory_space<vmem>>, %arg11: memref<4x256xi32, #tpu.memory_space<vmem>>, %arg12: memref<!tpu.dma_semaphore, #tpu.memory_space<semaphore_mem>>) attributes {dimension_semantics = [#tpu.dimension_semantics<core_parallel>, #tpu.dimension_semantics<subcore_parallel>], iteration_bounds = array<i64: 2, 16>, scalar_prefetch = 0 : i64, scratch_operands = 6 : i64, tpu.core_type = #tpu.core_type<sc_vector_subcore>, window_params = [{transform_indices = #map}, {transform_indices = #map1}, {transform_indices = #map1}, {transform_indices = #map1}, {transform_indices = #map1}]} {
    %mul3A = arith.constant 2 : i32
    %mul3A_0 = arith.muli %arg1, %mul3A : i32
    %add3A = arith.addi %mul3A_0, %arg0 : i32
    %mul3A_1 = arith.constant 6400 : i32
    %mul3A_2 = arith.muli %add3A, %mul3A_1 : i32
    "tpu.region"() ({
      %run_scoped3A = tpu.sem_alloc : memref<!tpu.dma_semaphore, #tpu.memory_space<semaphore_mem>>
      tpu.enqueue_dma source(%arg4 : memref<1000x64xf32, #tpu.memory_space<hbm>>) target(%arg7 : memref<1000x64xf32, #tpu.memory_space<vmem>>) target_semaphore(%run_scoped3A : memref<!tpu.dma_semaphore, #tpu.memory_space<semaphore_mem>>)
      tpu.wait_dma2 semaphore(%run_scoped3A : memref<!tpu.dma_semaphore, #tpu.memory_space<semaphore_mem>>) src(%arg4 : memref<1000x64xf32, #tpu.memory_space<hbm>>) dst(%arg7 : memref<1000x64xf32, #tpu.memory_space<vmem>>)
      tpu.yield
    }) : () -> ()
    %scan3A = arith.constant 0 : i32
    %scan3A_3 = arith.constant 0 : i32
    %scan3A_4 = arith.constant 25 : i32
    %scan3A_5 = arith.addi %scan3A_3, %scan3A_4 : i32
    %scan3A_6 = arith.constant 1 : i32
    scf.for %scan3A_8 = %scan3A_3 to %scan3A_5 step %scan3A_6  : i32 {
      %mul3A_9 = arith.constant 256 : i32
      %mul3A_10 = arith.muli %scan3A_8, %mul3A_9 : i32
      %add3A_11 = arith.addi %mul3A_2, %mul3A_10 : i32
      "tpu.region"() ({
        %run_scoped3A = tpu.sem_alloc : memref<!tpu.dma_semaphore, #tpu.memory_space<semaphore_mem>>
        %dma_start3A_22 = tpu.memref_slice %arg2[%add3A_11] : memref<204800xi32, #tpu.memory_space<hbm>> -> memref<256xi32, #tpu.memory_space<hbm>>
        %dma_start3A_23 = tpu.memref_slice %arg2[%add3A_11] : memref<204800xi32, #tpu.memory_space<hbm>> -> memref<256xi32, #tpu.memory_space<hbm>>
        tpu.enqueue_dma source(%dma_start3A_23 : memref<256xi32, #tpu.memory_space<hbm>>) target(%arg10 : memref<256xi32, #tpu.memory_space<vmem>>) target_semaphore(%run_scoped3A : memref<!tpu.dma_semaphore, #tpu.memory_space<semaphore_mem>>)
        %dma_wait3A_24 = tpu.memref_slice %arg2[%add3A_11] : memref<204800xi32, #tpu.memory_space<hbm>> -> memref<256xi32, #tpu.memory_space<hbm>>
        %dma_wait3A_25 = tpu.memref_slice %arg2[%add3A_11] : memref<204800xi32, #tpu.memory_space<hbm>> -> memref<256xi32, #tpu.memory_space<hbm>>
        tpu.wait_dma2 semaphore(%run_scoped3A : memref<!tpu.dma_semaphore, #tpu.memory_space<semaphore_mem>>) src(%dma_wait3A_25 : memref<256xi32, #tpu.memory_space<hbm>>) dst(%arg10 : memref<256xi32, #tpu.memory_space<vmem>>)
        tpu.yield
      }) : () -> ()
      "tpu.region"() ({
        %run_scoped3A = tpu.sem_alloc : memref<!tpu.dma_semaphore, #tpu.memory_space<semaphore_mem>>
        %dma_start3A_22 = arith.constant 0 : i32
        %dma_start3A_23 = tpu.memref_slice %arg3[%dma_start3A_22, %add3A_11] : memref<4x204800xi32, #tpu.memory_space<hbm>> -> memref<4x256xi32, #tpu.memory_space<hbm>>
        %dma_start3A_24 = arith.constant 0 : i32
        %dma_start3A_25 = tpu.memref_slice %arg3[%dma_start3A_24, %add3A_11] : memref<4x204800xi32, #tpu.memory_space<hbm>> -> memref<4x256xi32, #tpu.memory_space<hbm>>
        tpu.enqueue_dma source(%dma_start3A_25 : memref<4x256xi32, #tpu.memory_space<hbm>>) target(%arg11 : memref<4x256xi32, #tpu.memory_space<vmem>>) target_semaphore(%run_scoped3A : memref<!tpu.dma_semaphore, #tpu.memory_space<semaphore_mem>>)
        %dma_wait3A_26 = arith.constant 0 : i32
        %dma_wait3A_27 = tpu.memref_slice %arg3[%dma_wait3A_26, %add3A_11] : memref<4x204800xi32, #tpu.memory_space<hbm>> -> memref<4x256xi32, #tpu.memory_space<hbm>>
        %dma_wait3A_28 = arith.constant 0 : i32
        %dma_wait3A_29 = tpu.memref_slice %arg3[%dma_wait3A_28, %add3A_11] : memref<4x204800xi32, #tpu.memory_space<hbm>> -> memref<4x256xi32, #tpu.memory_space<hbm>>
        tpu.wait_dma2 semaphore(%run_scoped3A : memref<!tpu.dma_semaphore, #tpu.memory_space<semaphore_mem>>) src(%dma_wait3A_29 : memref<4x256xi32, #tpu.memory_space<hbm>>) dst(%arg11 : memref<4x256xi32, #tpu.memory_space<vmem>>)
        tpu.yield
      }) : () -> ()
      %dma_start3A = arith.constant 0 : i32
      %dma_start3A_12 = arith.constant 0 : i32
      %dma_start3A_13 = tpu.memref_slice %arg5[%dma_start3A, %dma_start3A_12] : memref<100000x64xf32, #tpu.memory_space<hbm>> -> memref<100000x64xf32, #tpu.memory_space<hbm>>
      tpu.enqueue_indirect_dma source(%dma_start3A_13 : memref<100000x64xf32, #tpu.memory_space<hbm>>) target(%arg9 : memref<256x64xf32, #tpu.memory_space<vmem>>) offsets(%arg10 : memref<256xi32, #tpu.memory_space<vmem>>) semaphore(%arg12 : memref<!tpu.dma_semaphore, #tpu.memory_space<semaphore_mem>>)
      %scan3A_14 = arith.constant 0 : i32
      %scan3A_15 = arith.constant 0 : i32
      %scan3A_16 = arith.constant 16 : i32
      %scan3A_17 = arith.addi %scan3A_15, %scan3A_16 : i32
      %scan3A_18 = arith.constant 1 : i32
      scf.for %scan3A_22 = %scan3A_15 to %scan3A_17 step %scan3A_18  : i32 {
        %mul3A_23 = arith.constant 16 : i32
        %mul3A_24 = arith.muli %scan3A_22, %mul3A_23 : i32
        %iota3A = tpu.iota {dimensions = array<i32: 0>} : vector<16xi32>
        %add3A_25 = vector.broadcast %mul3A_24 : i32 to vector<16xi32>
        %add3A_26 = arith.addi %iota3A, %add3A_25 : vector<16xi32>
        %get3A = arith.constant 0 : i32
        %get3A_27 = arith.index_cast %get3A : i32 to index
        %get3A_28 = arith.index_cast %mul3A_24 : i32 to index
        %get3A_29 = tpu.vector_load %arg11[%get3A_27, %get3A_28] {strides = array<i32>} : memref<4x256xi32, #tpu.memory_space<vmem>>, vector<16xi32>,
        %get3A_30 = arith.constant 1 : i32
        %get3A_31 = arith.index_cast %get3A_30 : i32 to index
        %get3A_32 = arith.index_cast %mul3A_24 : i32 to index
        %get3A_33 = tpu.vector_load %arg11[%get3A_31, %get3A_32] {strides = array<i32>} : memref<4x256xi32, #tpu.memory_space<vmem>>, vector<16xi32>,
        %get3A_34 = arith.constant 2 : i32
        %get3A_35 = arith.index_cast %get3A_34 : i32 to index
        %get3A_36 = arith.index_cast %mul3A_24 : i32 to index
        %get3A_37 = tpu.vector_load %arg11[%get3A_35, %get3A_36] {strides = array<i32>} : memref<4x256xi32, #tpu.memory_space<vmem>>, vector<16xi32>,
        %get3A_38 = arith.constant 3 : i32
        %get3A_39 = arith.index_cast %get3A_38 : i32 to index
        %get3A_40 = arith.index_cast %mul3A_24 : i32 to index
        %get3A_41 = tpu.vector_load %arg11[%get3A_39, %get3A_40] {strides = array<i32>} : memref<4x256xi32, #tpu.memory_space<vmem>>, vector<16xi32>,
        %broadcast_in_dim3A = arith.constant 0 : i32
        %broadcast_in_dim3A_42 = vector.broadcast %broadcast_in_dim3A : i32 to vector<16xi32>
        %gather3A = tpu.vector_load_idx %arg7[%get3A_29, %broadcast_in_dim3A_42] : memref<1000x64xf32, #tpu.memory_space<vmem>>[vector<16xi32>, vector<16xi32>], vector<16xf32>,
        %gather3A_43 = tpu.vector_load_idx %arg7[%get3A_33, %broadcast_in_dim3A_42] : memref<1000x64xf32, #tpu.memory_space<vmem>>[vector<16xi32>, vector<16xi32>], vector<16xf32>,
        %add3A_44 = arith.addf %gather3A, %gather3A_43 : vector<16xf32>
        %gather3A_45 = tpu.vector_load_idx %arg7[%get3A_37, %broadcast_in_dim3A_42] : memref<1000x64xf32, #tpu.memory_space<vmem>>[vector<16xi32>, vector<16xi32>], vector<16xf32>,
        %add3A_46 = arith.addf %add3A_44, %gather3A_45 : vector<16xf32>
        %gather3A_47 = tpu.vector_load_idx %arg7[%get3A_41, %broadcast_in_dim3A_42] : memref<1000x64xf32, #tpu.memory_space<vmem>>[vector<16xi32>, vector<16xi32>], vector<16xf32>,
        %add3A_48 = arith.addf %add3A_46, %gather3A_47 : vector<16xf32>
        %mul3A_49 = arith.constant 2.500000e-01 : f32
        %mul3A_50 = vector.broadcast %mul3A_49 : f32 to vector<16xf32>
        %mul3A_51 = arith.mulf %add3A_48, %mul3A_50 : vector<16xf32>
        tpu.vector_store_idx %arg8[%add3A_26, %broadcast_in_dim3A_42], %mul3A_51 : memref<256x64xf32, #tpu.memory_space<vmem>>[vector<16xi32>, vector<16xi32>], vector<16xf32>,
        %broadcast_in_dim3A_52 = arith.constant 1 : i32
        %broadcast_in_dim3A_53 = vector.broadcast %broadcast_in_dim3A_52 : i32 to vector<16xi32>
        %gather3A_54 = tpu.vector_load_idx %arg7[%get3A_29, %broadcast_in_dim3A_53] : memref<1000x64xf32, #tpu.memory_space<vmem>>[vector<16xi32>, vector<16xi32>], vector<16xf32>,
        %gather3A_55 = tpu.vector_load_idx %arg7[%get3A_33, %broadcast_in_dim3A_53] : memref<1000x64xf32, #tpu.memory_space<vmem>>[vector<16xi32>, vector<16xi32>], vector<16xf32>,
        %add3A_56 = arith.addf %gather3A_54, %gather3A_55 : vector<16xf32>
        %gather3A_57 = tpu.vector_load_idx %arg7[%get3A_37, %broadcast_in_dim3A_53] : memref<1000x64xf32, #tpu.memory_space<vmem>>[vector<16xi32>, vector<16xi32>], vector<16xf32>,
        %add3A_58 = arith.addf %add3A_56, %gather3A_57 : vector<16xf32>
        %gather3A_59 = tpu.vector_load_idx %arg7[%get3A_41, %broadcast_in_dim3A_53] : memref<1000x64xf32, #tpu.memory_space<vmem>>[vector<16xi32>, vector<16xi32>], vector<16xf32>,
        %add3A_60 = arith.addf %add3A_58, %gather3A_59 : vector<16xf32>
        %mul3A_61 = arith.constant 2.500000e-01 : f32
        %mul3A_62 = vector.broadcast %mul3A_61 : f32 to vector<16xf32>
        %mul3A_63 = arith.mulf %add3A_60, %mul3A_62 : vector<16xf32>
        tpu.vector_store_idx %arg8[%add3A_26, %broadcast_in_dim3A_53], %mul3A_63 : memref<256x64xf32, #tpu.memory_space<vmem>>[vector<16xi32>, vector<16xi32>], vector<16xf32>,
        %broadcast_in_dim3A_64 = arith.constant 2 : i32
        %broadcast_in_dim3A_65 = vector.broadcast %broadcast_in_dim3A_64 : i32 to vector<16xi32>
        %gather3A_66 = tpu.vector_load_idx %arg7[%get3A_29, %broadcast_in_dim3A_65] : memref<1000x64xf32, #tpu.memory_space<vmem>>[vector<16xi32>, vector<16xi32>], vector<16xf32>,
        %gather3A_67 = tpu.vector_load_idx %arg7[%get3A_33, %broadcast_in_dim3A_65] : memref<1000x64xf32, #tpu.memory_space<vmem>>[vector<16xi32>, vector<16xi32>], vector<16xf32>,
        %add3A_68 = arith.addf %gather3A_66, %gather3A_67 : vector<16xf32>
        %gather3A_69 = tpu.vector_load_idx %arg7[%get3A_37, %broadcast_in_dim3A_65] : memref<1000x64xf32, #tpu.memory_space<vmem>>[vector<16xi32>, vector<16xi32>], vector<16xf32>,
        %add3A_70 = arith.addf %add3A_68, %gather3A_69 : vector<16xf32>
        %gather3A_71 = tpu.vector_load_idx %arg7[%get3A_41, %broadcast_in_dim3A_65] : memref<1000x64xf32, #tpu.memory_space<vmem>>[vector<16xi32>, vector<16xi32>], vector<16xf32>,
        %add3A_72 = arith.addf %add3A_70, %gather3A_71 : vector<16xf32>
        %mul3A_73 = arith.constant 2.500000e-01 : f32
        %mul3A_74 = vector.broadcast %mul3A_73 : f32 to vector<16xf32>
        %mul3A_75 = arith.mulf %add3A_72, %mul3A_74 : vector<16xf32>
        tpu.vector_store_idx %arg8[%add3A_26, %broadcast_in_dim3A_65], %mul3A_75 : memref<256x64xf32, #tpu.memory_space<vmem>>[vector<16xi32>, vector<16xi32>], vector<16xf32>,
        %broadcast_in_dim3A_76 = arith.constant 3 : i32
        %broadcast_in_dim3A_77 = vector.broadcast %broadcast_in_dim3A_76 : i32 to vector<16xi32>
        %gather3A_78 = tpu.vector_load_idx %arg7[%get3A_29, %broadcast_in_dim3A_77] : memref<1000x64xf32, #tpu.memory_space<vmem>>[vector<16xi32>, vector<16xi32>], vector<16xf32>,
        %gather3A_79 = tpu.vector_load_idx %arg7[%get3A_33, %broadcast_in_dim3A_77] : memref<1000x64xf32, #tpu.memory_space<vmem>>[vector<16xi32>, vector<16xi32>], vector<16xf32>,
        %add3A_80 = arith.addf %gather3A_78, %gather3A_79 : vector<16xf32>
        %gather3A_81 = tpu.vector_load_idx %arg7[%get3A_37, %broadcast_in_dim3A_77] : memref<1000x64xf32, #tpu.memory_space<vmem>>[vector<16xi32>, vector<16xi32>], vector<16xf32>,
        %add3A_82 = arith.addf %add3A_80, %gather3A_81 : vector<16xf32>
        %gather3A_83 = tpu.vector_load_idx %arg7[%get3A_41, %broadcast_in_dim3A_77] : memref<1000x64xf32, #tpu.memory_space<vmem>>[vector<16xi32>, vector<16xi32>], vector<16xf32>,
        %add3A_84 = arith.addf %add3A_82, %gather3A_83 : vector<16xf32>
        %mul3A_85 = arith.constant 2.500000e-01 : f32
        %mul3A_86 = vector.broadcast %mul3A_85 : f32 to vector<16xf32>
        %mul3A_87 = arith.mulf %add3A_84, %mul3A_86 : vector<16xf32>
        tpu.vector_store_idx %arg8[%add3A_26, %broadcast_in_dim3A_77], %mul3A_87 : memref<256x64xf32, #tpu.memory_space<vmem>>[vector<16xi32>, vector<16xi32>], vector<16xf32>,
        %broadcast_in_dim3A_88 = arith.constant 4 : i32
        %broadcast_in_dim3A_89 = vector.broadcast %broadcast_in_dim3A_88 : i32 to vector<16xi32>
        %gather3A_90 = tpu.vector_load_idx %arg7[%get3A_29, %broadcast_in_dim3A_89] : memref<1000x64xf32, #tpu.memory_space<vmem>>[vector<16xi32>, vector<16xi32>], vector<16xf32>,
        %gather3A_91 = tpu.vector_load_idx %arg7[%get3A_33, %broadcast_in_dim3A_89] : memref<1000x64xf32, #tpu.memory_space<vmem>>[vector<16xi32>, vector<16xi32>], vector<16xf32>,
        %add3A_92 = arith.addf %gather3A_90, %gather3A_91 : vector<16xf32>
        %gather3A_93 = tpu.vector_load_idx %arg7[%get3A_37, %broadcast_in_dim3A_89] : memref<1000x64xf32, #tpu.memory_space<vmem>>[vector<16xi32>, vector<16xi32>], vector<16xf32>,
        %add3A_94 = arith.addf %add3A_92, %gather3A_93 : vector<16xf32>
        %gather3A_95 = tpu.vector_load_idx %arg7[%get3A_41, %broadcast_in_dim3A_89] : memref<1000x64xf32, #tpu.memory_space<vmem>>[vector<16xi32>, vector<16xi32>], vector<16xf32>,
        %add3A_96 = arith.addf %add3A_94, %gather3A_95 : vector<16xf32>
        %mul3A_97 = arith.constant 2.500000e-01 : f32
        %mul3A_98 = vector.broadcast %mul3A_97 : f32 to vector<16xf32>
        %mul3A_99 = arith.mulf %add3A_96, %mul3A_98 : vector<16xf32>
        tpu.vector_store_idx %arg8[%add3A_26, %broadcast_in_dim3A_89], %mul3A_99 : memref<256x64xf32, #tpu.memory_space<vmem>>[vector<16xi32>, vector<16xi32>], vector<16xf32>,
        %broadcast_in_dim3A_100 = arith.constant 5 : i32
        %broadcast_in_dim3A_101 = vector.broadcast %broadcast_in_dim3A_100 : i32 to vector<16xi32>
        %gather3A_102 = tpu.vector_load_idx %arg7[%get3A_29, %broadcast_in_dim3A_101] : memref<1000x64xf32, #tpu.memory_space<vmem>>[vector<16xi32>, vector<16xi32>], vector<16xf32>,
        %gather3A_103 = tpu.vector_load_idx %arg7[%get3A_33, %broadcast_in_dim3A_101] : memref<1000x64xf32, #tpu.memory_space<vmem>>[vector<16xi32>, vector<16xi32>], vector<16xf32>,
        %add3A_104 = arith.addf %gather3A_102, %gather3A_103 : vector<16xf32>
        %gather3A_105 = tpu.vector_load_idx %arg7[%get3A_37, %broadcast_in_dim3A_101] : memref<1000x64xf32, #tpu.memory_space<vmem>>[vector<16xi32>, vector<16xi32>], vector<16xf32>,
        %add3A_106 = arith.addf %add3A_104, %gather3A_105 : vector<16xf32>
        %gather3A_107 = tpu.vector_load_idx %arg7[%get3A_41, %broadcast_in_dim3A_101] : memref<1000x64xf32, #tpu.memory_space<vmem>>[vector<16xi32>, vector<16xi32>], vector<16xf32>,
        %add3A_108 = arith.addf %add3A_106, %gather3A_107 : vector<16xf32>
        %mul3A_109 = arith.constant 2.500000e-01 : f32
        %mul3A_110 = vector.broadcast %mul3A_109 : f32 to vector<16xf32>
        %mul3A_111 = arith.mulf %add3A_108, %mul3A_110 : vector<16xf32>
        tpu.vector_store_idx %arg8[%add3A_26, %broadcast_in_dim3A_101], %mul3A_111 : memref<256x64xf32, #tpu.memory_space<vmem>>[vector<16xi32>, vector<16xi32>], vector<16xf32>,
        %broadcast_in_dim3A_112 = arith.constant 6 : i32
        %broadcast_in_dim3A_113 = vector.broadcast %broadcast_in_dim3A_112 : i32 to vector<16xi32>
        %gather3A_114 = tpu.vector_load_idx %arg7[%get3A_29, %broadcast_in_dim3A_113] : memref<1000x64xf32, #tpu.memory_space<vmem>>[vector<16xi32>, vector<16xi32>], vector<16xf32>,
        %gather3A_115 = tpu.vector_load_idx %arg7[%get3A_33, %broadcast_in_dim3A_113] : memref<1000x64xf32, #tpu.memory_space<vmem>>[vector<16xi32>, vector<16xi32>], vector<16xf32>,
        %add3A_116 = arith.addf %gather3A_114, %gather3A_115 : vector<16xf32>
        %gather3A_117 = tpu.vector_load_idx %arg7[%get3A_37, %broadcast_in_dim3A_113] : memref<1000x64xf32, #tpu.memory_space<vmem>>[vector<16xi32>, vector<16xi32>], vector<16xf32>,
        %add3A_118 = arith.addf %add3A_116, %gather3A_117 : vector<16xf32>
        %gather3A_119 = tpu.vector_load_idx %arg7[%get3A_41, %broadcast_in_dim3A_113] : memref<1000x64xf32, #tpu.memory_space<vmem>>[vector<16xi32>, vector<16xi32>], vector<16xf32>,
        %add3A_120 = arith.addf %add3A_118, %gather3A_119 : vector<16xf32>
        %mul3A_121 = arith.constant 2.500000e-01 : f32
        %mul3A_122 = vector.broadcast %mul3A_121 : f32 to vector<16xf32>
        %mul3A_123 = arith.mulf %add3A_120, %mul3A_122 : vector<16xf32>
        tpu.vector_store_idx %arg8[%add3A_26, %broadcast_in_dim3A_113], %mul3A_123 : memref<256x64xf32, #tpu.memory_space<vmem>>[vector<16xi32>, vector<16xi32>], vector<16xf32>,
        %broadcast_in_dim3A_124 = arith.constant 7 : i32
        %broadcast_in_dim3A_125 = vector.broadcast %broadcast_in_dim3A_124 : i32 to vector<16xi32>
        %gather3A_126 = tpu.vector_load_idx %arg7[%get3A_29, %broadcast_in_dim3A_125] : memref<1000x64xf32, #tpu.memory_space<vmem>>[vector<16xi32>, vector<16xi32>], vector<16xf32>,
        %gather3A_127 = tpu.vector_load_idx %arg7[%get3A_33, %broadcast_in_dim3A_125] : memref<1000x64xf32, #tpu.memory_space<vmem>>[vector<16xi32>, vector<16xi32>], vector<16xf32>,
        %add3A_128 = arith.addf %gather3A_126, %gather3A_127 : vector<16xf32>
        %gather3A_129 = tpu.vector_load_idx %arg7[%get3A_37, %broadcast_in_dim3A_125] : memref<1000x64xf32, #tpu.memory_space<vmem>>[vector<16xi32>, vector<16xi32>], vector<16xf32>,
        %add3A_130 = arith.addf %add3A_128, %gather3A_129 : vector<16xf32>
        %gather3A_131 = tpu.vector_load_idx %arg7[%get3A_41, %broadcast_in_dim3A_125] : memref<1000x64xf32, #tpu.memory_space<vmem>>[vector<16xi32>, vector<16xi32>], vector<16xf32>,
        %add3A_132 = arith.addf %add3A_130, %gather3A_131 : vector<16xf32>
        %mul3A_133 = arith.constant 2.500000e-01 : f32
        %mul3A_134 = vector.broadcast %mul3A_133 : f32 to vector<16xf32>
        %mul3A_135 = arith.mulf %add3A_132, %mul3A_134 : vector<16xf32>
        tpu.vector_store_idx %arg8[%add3A_26, %broadcast_in_dim3A_125], %mul3A_135 : memref<256x64xf32, #tpu.memory_space<vmem>>[vector<16xi32>, vector<16xi32>], vector<16xf32>,
        %broadcast_in_dim3A_136 = arith.constant 8 : i32
        %broadcast_in_dim3A_137 = vector.broadcast %broadcast_in_dim3A_136 : i32 to vector<16xi32>
        %gather3A_138 = tpu.vector_load_idx %arg7[%get3A_29, %broadcast_in_dim3A_137] : memref<1000x64xf32, #tpu.memory_space<vmem>>[vector<16xi32>, vector<16xi32>], vector<16xf32>,
        %gather3A_139 = tpu.vector_load_idx %arg7[%get3A_33, %broadcast_in_dim3A_137] : memref<1000x64xf32, #tpu.memory_space<vmem>>[vector<16xi32>, vector<16xi32>], vector<16xf32>,
        %add3A_140 = arith.addf %gather3A_138, %gather3A_139 : vector<16xf32>
        %gather3A_141 = tpu.vector_load_idx %arg7[%get3A_37, %broadcast_in_dim3A_137] : memref<1000x64xf32, #tpu.memory_space<vmem>>[vector<16xi32>, vector<16xi32>], vector<16xf32>,
        %add3A_142 = arith.addf %add3A_140, %gather3A_141 : vector<16xf32>
        %gather3A_143 = tpu.vector_load_idx %arg7[%get3A_41, %broadcast_in_dim3A_137] : memref<1000x64xf32, #tpu.memory_space<vmem>>[vector<16xi32>, vector<16xi32>], vector<16xf32>,
        %add3A_144 = arith.addf %add3A_142, %gather3A_143 : vector<16xf32>
        %mul3A_145 = arith.constant 2.500000e-01 : f32
        %mul3A_146 = vector.broadcast %mul3A_145 : f32 to vector<16xf32>
        %mul3A_147 = arith.mulf %add3A_144, %mul3A_146 : vector<16xf32>
        tpu.vector_store_idx %arg8[%add3A_26, %broadcast_in_dim3A_137], %mul3A_147 : memref<256x64xf32, #tpu.memory_space<vmem>>[vector<16xi32>, vector<16xi32>], vector<16xf32>,
        %broadcast_in_dim3A_148 = arith.constant 9 : i32
        %broadcast_in_dim3A_149 = vector.broadcast %broadcast_in_dim3A_148 : i32 to vector<16xi32>
        %gather3A_150 = tpu.vector_load_idx %arg7[%get3A_29, %broadcast_in_dim3A_149] : memref<1000x64xf32, #tpu.memory_space<vmem>>[vector<16xi32>, vector<16xi32>], vector<16xf32>,
        %gather3A_151 = tpu.vector_load_idx %arg7[%get3A_33, %broadcast_in_dim3A_149] : memref<1000x64xf32, #tpu.memory_space<vmem>>[vector<16xi32>, vector<16xi32>], vector<16xf32>,
        %add3A_152 = arith.addf %gather3A_150, %gather3A_151 : vector<16xf32>
        %gather3A_153 = tpu.vector_load_idx %arg7[%get3A_37, %broadcast_in_dim3A_149] : memref<1000x64xf32, #tpu.memory_space<vmem>>[vector<16xi32>, vector<16xi32>], vector<16xf32>,
        %add3A_154 = arith.addf %add3A_152, %gather3A_153 : vector<16xf32>
        %gather3A_155 = tpu.vector_load_idx %arg7[%get3A_41, %broadcast_in_dim3A_149] : memref<1000x64xf32, #tpu.memory_space<vmem>>[vector<16xi32>, vector<16xi32>], vector<16xf32>,
        %add3A_156 = arith.addf %add3A_154, %gather3A_155 : vector<16xf32>
        %mul3A_157 = arith.constant 2.500000e-01 : f32
        %mul3A_158 = vector.broadcast %mul3A_157 : f32 to vector<16xf32>
        %mul3A_159 = arith.mulf %add3A_156, %mul3A_158 : vector<16xf32>
        tpu.vector_store_idx %arg8[%add3A_26, %broadcast_in_dim3A_149], %mul3A_159 : memref<256x64xf32, #tpu.memory_space<vmem>>[vector<16xi32>, vector<16xi32>], vector<16xf32>,
        %broadcast_in_dim3A_160 = arith.constant 10 : i32
        %broadcast_in_dim3A_161 = vector.broadcast %broadcast_in_dim3A_160 : i32 to vector<16xi32>
        %gather3A_162 = tpu.vector_load_idx %arg7[%get3A_29, %broadcast_in_dim3A_161] : memref<1000x64xf32, #tpu.memory_space<vmem>>[vector<16xi32>, vector<16xi32>], vector<16xf32>,
        %gather3A_163 = tpu.vector_load_idx %arg7[%get3A_33, %broadcast_in_dim3A_161] : memref<1000x64xf32, #tpu.memory_space<vmem>>[vector<16xi32>, vector<16xi32>], vector<16xf32>,
        %add3A_164 = arith.addf %gather3A_162, %gather3A_163 : vector<16xf32>
        %gather3A_165 = tpu.vector_load_idx %arg7[%get3A_37, %broadcast_in_dim3A_161] : memref<1000x64xf32, #tpu.memory_space<vmem>>[vector<16xi32>, vector<16xi32>], vector<16xf32>,
        %add3A_166 = arith.addf %add3A_164, %gather3A_165 : vector<16xf32>
        %gather3A_167 = tpu.vector_load_idx %arg7[%get3A_41, %broadcast_in_dim3A_161] : memref<1000x64xf32, #tpu.memory_space<vmem>>[vector<16xi32>, vector<16xi32>], vector<16xf32>,
        %add3A_168 = arith.addf %add3A_166, %gather3A_167 : vector<16xf32>
        %mul3A_169 = arith.constant 2.500000e-01 : f32
        %mul3A_170 = vector.broadcast %mul3A_169 : f32 to vector<16xf32>
        %mul3A_171 = arith.mulf %add3A_168, %mul3A_170 : vector<16xf32>
        tpu.vector_store_idx %arg8[%add3A_26, %broadcast_in_dim3A_161], %mul3A_171 : memref<256x64xf32, #tpu.memory_space<vmem>>[vector<16xi32>, vector<16xi32>], vector<16xf32>,
        %broadcast_in_dim3A_172 = arith.constant 11 : i32
        %broadcast_in_dim3A_173 = vector.broadcast %broadcast_in_dim3A_172 : i32 to vector<16xi32>
        %gather3A_174 = tpu.vector_load_idx %arg7[%get3A_29, %broadcast_in_dim3A_173] : memref<1000x64xf32, #tpu.memory_space<vmem>>[vector<16xi32>, vector<16xi32>], vector<16xf32>,
        %gather3A_175 = tpu.vector_load_idx %arg7[%get3A_33, %broadcast_in_dim3A_173] : memref<1000x64xf32, #tpu.memory_space<vmem>>[vector<16xi32>, vector<16xi32>], vector<16xf32>,
        %add3A_176 = arith.addf %gather3A_174, %gather3A_175 : vector<16xf32>
        %gather3A_177 = tpu.vector_load_idx %arg7[%get3A_37, %broadcast_in_dim3A_173] : memref<1000x64xf32, #tpu.memory_space<vmem>>[vector<16xi32>, vector<16xi32>], vector<16xf32>,
        %add3A_178 = arith.addf %add3A_176, %gather3A_177 : vector<16xf32>
        %gather3A_179 = tpu.vector_load_idx %arg7[%get3A_41, %broadcast_in_dim3A_173] : memref<1000x64xf32, #tpu.memory_space<vmem>>[vector<16xi32>, vector<16xi32>], vector<16xf32>,
        %add3A_180 = arith.addf %add3A_178, %gather3A_179 : vector<16xf32>
        %mul3A_181 = arith.constant 2.500000e-01 : f32
        %mul3A_182 = vector.broadcast %mul3A_181 : f32 to vector<16xf32>
        %mul3A_183 = arith.mulf %add3A_180, %mul3A_182 : vector<16xf32>
        tpu.vector_store_idx %arg8[%add3A_26, %broadcast_in_dim3A_173], %mul3A_183 : memref<256x64xf32, #tpu.memory_space<vmem>>[vector<16xi32>, vector<16xi32>], vector<16xf32>,
        %broadcast_in_dim3A_184 = arith.constant 12 : i32
        %broadcast_in_dim3A_185 = vector.broadcast %broadcast_in_dim3A_184 : i32 to vector<16xi32>
        %gather3A_186 = tpu.vector_load_idx %arg7[%get3A_29, %broadcast_in_dim3A_185] : memref<1000x64xf32, #tpu.memory_space<vmem>>[vector<16xi32>, vector<16xi32>], vector<16xf32>,
        %gather3A_187 = tpu.vector_load_idx %arg7[%get3A_33, %broadcast_in_dim3A_185] : memref<1000x64xf32, #tpu.memory_space<vmem>>[vector<16xi32>, vector<16xi32>], vector<16xf32>,
        %add3A_188 = arith.addf %gather3A_186, %gather3A_187 : vector<16xf32>
        %gather3A_189 = tpu.vector_load_idx %arg7[%get3A_37, %broadcast_in_dim3A_185] : memref<1000x64xf32, #tpu.memory_space<vmem>>[vector<16xi32>, vector<16xi32>], vector<16xf32>,
        %add3A_190 = arith.addf %add3A_188, %gather3A_189 : vector<16xf32>
        %gather3A_191 = tpu.vector_load_idx %arg7[%get3A_41, %broadcast_in_dim3A_185] : memref<1000x64xf32, #tpu.memory_space<vmem>>[vector<16xi32>, vector<16xi32>], vector<16xf32>,
        %add3A_192 = arith.addf %add3A_190, %gather3A_191 : vector<16xf32>
        %mul3A_193 = arith.constant 2.500000e-01 : f32
        %mul3A_194 = vector.broadcast %mul3A_193 : f32 to vector<16xf32>
        %mul3A_195 = arith.mulf %add3A_192, %mul3A_194 : vector<16xf32>
        tpu.vector_store_idx %arg8[%add3A_26, %broadcast_in_dim3A_185], %mul3A_195 : memref<256x64xf32, #tpu.memory_space<vmem>>[vector<16xi32>, vector<16xi32>], vector<16xf32>,
        %broadcast_in_dim3A_196 = arith.constant 13 : i32
        %broadcast_in_dim3A_197 = vector.broadcast %broadcast_in_dim3A_196 : i32 to vector<16xi32>
        %gather3A_198 = tpu.vector_load_idx %arg7[%get3A_29, %broadcast_in_dim3A_197] : memref<1000x64xf32, #tpu.memory_space<vmem>>[vector<16xi32>, vector<16xi32>], vector<16xf32>,
        %gather3A_199 = tpu.vector_load_idx %arg7[%get3A_33, %broadcast_in_dim3A_197] : memref<1000x64xf32, #tpu.memory_space<vmem>>[vector<16xi32>, vector<16xi32>], vector<16xf32>,
        %add3A_200 = arith.addf %gather3A_198, %gather3A_199 : vector<16xf32>
        %gather3A_201 = tpu.vector_load_idx %arg7[%get3A_37, %broadcast_in_dim3A_197] : memref<1000x64xf32, #tpu.memory_space<vmem>>[vector<16xi32>, vector<16xi32>], vector<16xf32>,
        %add3A_202 = arith.addf %add3A_200, %gather3A_201 : vector<16xf32>
        %gather3A_203 = tpu.vector_load_idx %arg7[%get3A_41, %broadcast_in_dim3A_197] : memref<1000x64xf32, #tpu.memory_space<vmem>>[vector<16xi32>, vector<16xi32>], vector<16xf32>,
        %add3A_204 = arith.addf %add3A_202, %gather3A_203 : vector<16xf32>
        %mul3A_205 = arith.constant 2.500000e-01 : f32
        %mul3A_206 = vector.broadcast %mul3A_205 : f32 to vector<16xf32>
        %mul3A_207 = arith.mulf %add3A_204, %mul3A_206 : vector<16xf32>
        tpu.vector_store_idx %arg8[%add3A_26, %broadcast_in_dim3A_197], %mul3A_207 : memref<256x64xf32, #tpu.memory_space<vmem>>[vector<16xi32>, vector<16xi32>], vector<16xf32>,
        %broadcast_in_dim3A_208 = arith.constant 14 : i32
        %broadcast_in_dim3A_209 = vector.broadcast %broadcast_in_dim3A_208 : i32 to vector<16xi32>
        %gather3A_210 = tpu.vector_load_idx %arg7[%get3A_29, %broadcast_in_dim3A_209] : memref<1000x64xf32, #tpu.memory_space<vmem>>[vector<16xi32>, vector<16xi32>], vector<16xf32>,
        %gather3A_211 = tpu.vector_load_idx %arg7[%get3A_33, %broadcast_in_dim3A_209] : memref<1000x64xf32, #tpu.memory_space<vmem>>[vector<16xi32>, vector<16xi32>], vector<16xf32>,
        %add3A_212 = arith.addf %gather3A_210, %gather3A_211 : vector<16xf32>
        %gather3A_213 = tpu.vector_load_idx %arg7[%get3A_37, %broadcast_in_dim3A_209] : memref<1000x64xf32, #tpu.memory_space<vmem>>[vector<16xi32>, vector<16xi32>], vector<16xf32>,
        %add3A_214 = arith.addf %add3A_212, %gather3A_213 : vector<16xf32>
        %gather3A_215 = tpu.vector_load_idx %arg7[%get3A_41, %broadcast_in_dim3A_209] : memref<1000x64xf32, #tpu.memory_space<vmem>>[vector<16xi32>, vector<16xi32>], vector<16xf32>,
        %add3A_216 = arith.addf %add3A_214, %gather3A_215 : vector<16xf32>
        %mul3A_217 = arith.constant 2.500000e-01 : f32
        %mul3A_218 = vector.broadcast %mul3A_217 : f32 to vector<16xf32>
        %mul3A_219 = arith.mulf %add3A_216, %mul3A_218 : vector<16xf32>
        tpu.vector_store_idx %arg8[%add3A_26, %broadcast_in_dim3A_209], %mul3A_219 : memref<256x64xf32, #tpu.memory_space<vmem>>[vector<16xi32>, vector<16xi32>], vector<16xf32>,
        %broadcast_in_dim3A_220 = arith.constant 15 : i32
        %broadcast_in_dim3A_221 = vector.broadcast %broadcast_in_dim3A_220 : i32 to vector<16xi32>
        %gather3A_222 = tpu.vector_load_idx %arg7[%get3A_29, %broadcast_in_dim3A_221] : memref<1000x64xf32, #tpu.memory_space<vmem>>[vector<16xi32>, vector<16xi32>], vector<16xf32>,
        %gather3A_223 = tpu.vector_load_idx %arg7[%get3A_33, %broadcast_in_dim3A_221] : memref<1000x64xf32, #tpu.memory_space<vmem>>[vector<16xi32>, vector<16xi32>], vector<16xf32>,
        %add3A_224 = arith.addf %gather3A_222, %gather3A_223 : vector<16xf32>
        %gather3A_225 = tpu.vector_load_idx %arg7[%get3A_37, %broadcast_in_dim3A_221] : memref<1000x64xf32, #tpu.memory_space<vmem>>[vector<16xi32>, vector<16xi32>], vector<16xf32>,
        %add3A_226 = arith.addf %add3A_224, %gather3A_225 : vector<16xf32>
        %gather3A_227 = tpu.vector_load_idx %arg7[%get3A_41, %broadcast_in_dim3A_221] : memref<1000x64xf32, #tpu.memory_space<vmem>>[vector<16xi32>, vector<16xi32>], vector<16xf32>,
        %add3A_228 = arith.addf %add3A_226, %gather3A_227 : vector<16xf32>
        %mul3A_229 = arith.constant 2.500000e-01 : f32
        %mul3A_230 = vector.broadcast %mul3A_229 : f32 to vector<16xf32>
        %mul3A_231 = arith.mulf %add3A_228, %mul3A_230 : vector<16xf32>
        tpu.vector_store_idx %arg8[%add3A_26, %broadcast_in_dim3A_221], %mul3A_231 : memref<256x64xf32, #tpu.memory_space<vmem>>[vector<16xi32>, vector<16xi32>], vector<16xf32>,
        %broadcast_in_dim3A_232 = arith.constant 16 : i32
        %broadcast_in_dim3A_233 = vector.broadcast %broadcast_in_dim3A_232 : i32 to vector<16xi32>
        %gather3A_234 = tpu.vector_load_idx %arg7[%get3A_29, %broadcast_in_dim3A_233] : memref<1000x64xf32, #tpu.memory_space<vmem>>[vector<16xi32>, vector<16xi32>], vector<16xf32>,
        %gather3A_235 = tpu.vector_load_idx %arg7[%get3A_33, %broadcast_in_dim3A_233] : memref<1000x64xf32, #tpu.memory_space<vmem>>[vector<16xi32>, vector<16xi32>], vector<16xf32>,
        %add3A_236 = arith.addf %gather3A_234, %gather3A_235 : vector<16xf32>
        %gather3A_237 = tpu.vector_load_idx %arg7[%get3A_37, %broadcast_in_dim3A_233] : memref<1000x64xf32, #tpu.memory_space<vmem>>[vector<16xi32>, vector<16xi32>], vector<16xf32>,
        %add3A_238 = arith.addf %add3A_236, %gather3A_237 : vector<16xf32>
        %gather3A_239 = tpu.vector_load_idx %arg7[%get3A_41, %broadcast_in_dim3A_233] : memref<1000x64xf32, #tpu.memory_space<vmem>>[vector<16xi32>, vector<16xi32>], vector<16xf32>,
        %add3A_240 = arith.addf %add3A_238, %gather3A_239 : vector<16xf32>
        %mul3A_241 = arith.constant 2.500000e-01 : f32
        %mul3A_242 = vector.broadcast %mul3A_241 : f32 to vector<16xf32>
        %mul3A_243 = arith.mulf %add3A_240, %mul3A_242 : vector<16xf32>
        tpu.vector_store_idx %arg8[%add3A_26, %broadcast_in_dim3A_233], %mul3A_243 : memref<256x64xf32, #tpu.memory_space<vmem>>[vector<16xi32>, vector<16xi32>], vector<16xf32>,
        %broadcast_in_dim3A_244 = arith.constant 17 : i32
        %broadcast_in_dim3A_245 = vector.broadcast %broadcast_in_dim3A_244 : i32 to vector<16xi32>
        %gather3A_246 = tpu.vector_load_idx %arg7[%get3A_29, %broadcast_in_dim3A_245] : memref<1000x64xf32, #tpu.memory_space<vmem>>[vector<16xi32>, vector<16xi32>], vector<16xf32>,
        %gather3A_247 = tpu.vector_load_idx %arg7[%get3A_33, %broadcast_in_dim3A_245] : memref<1000x64xf32, #tpu.memory_space<vmem>>[vector<16xi32>, vector<16xi32>], vector<16xf32>,
        %add3A_248 = arith.addf %gather3A_246, %gather3A_247 : vector<16xf32>
        %gather3A_249 = tpu.vector_load_idx %arg7[%get3A_37, %broadcast_in_dim3A_245] : memref<1000x64xf32, #tpu.memory_space<vmem>>[vector<16xi32>, vector<16xi32>], vector<16xf32>,
        %add3A_250 = arith.addf %add3A_248, %gather3A_249 : vector<16xf32>
        %gather3A_251 = tpu.vector_load_idx %arg7[%get3A_41, %broadcast_in_dim3A_245] : memref<1000x64xf32, #tpu.memory_space<vmem>>[vector<16xi32>, vector<16xi32>], vector<16xf32>,
        %add3A_252 = arith.addf %add3A_250, %gather3A_251 : vector<16xf32>
        %mul3A_253 = arith.constant 2.500000e-01 : f32
        %mul3A_254 = vector.broadcast %mul3A_253 : f32 to vector<16xf32>
        %mul3A_255 = arith.mulf %add3A_252, %mul3A_254 : vector<16xf32>
        tpu.vector_store_idx %arg8[%add3A_26, %broadcast_in_dim3A_245], %mul3A_255 : memref<256x64xf32, #tpu.memory_space<vmem>>[vector<16xi32>, vector<16xi32>], vector<16xf32>,
        %broadcast_in_dim3A_256 = arith.constant 18 : i32
        %broadcast_in_dim3A_257 = vector.broadcast %broadcast_in_dim3A_256 : i32 to vector<16xi32>
        %gather3A_258 = tpu.vector_load_idx %arg7[%get3A_29, %broadcast_in_dim3A_257] : memref<1000x64xf32, #tpu.memory_space<vmem>>[vector<16xi32>, vector<16xi32>], vector<16xf32>,
        %gather3A_259 = tpu.vector_load_idx %arg7[%get3A_33, %broadcast_in_dim3A_257] : memref<1000x64xf32, #tpu.memory_space<vmem>>[vector<16xi32>, vector<16xi32>], vector<16xf32>,
        %add3A_260 = arith.addf %gather3A_258, %gather3A_259 : vector<16xf32>
        %gather3A_261 = tpu.vector_load_idx %arg7[%get3A_37, %broadcast_in_dim3A_257] : memref<1000x64xf32, #tpu.memory_space<vmem>>[vector<16xi32>, vector<16xi32>], vector<16xf32>,
        %add3A_262 = arith.addf %add3A_260, %gather3A_261 : vector<16xf32>
        %gather3A_263 = tpu.vector_load_idx %arg7[%get3A_41, %broadcast_in_dim3A_257] : memref<1000x64xf32, #tpu.memory_space<vmem>>[vector<16xi32>, vector<16xi32>], vector<16xf32>,
        %add3A_264 = arith.addf %add3A_262, %gather3A_263 : vector<16xf32>
        %mul3A_265 = arith.constant 2.500000e-01 : f32
        %mul3A_266 = vector.broadcast %mul3A_265 : f32 to vector<16xf32>
        %mul3A_267 = arith.mulf %add3A_264, %mul3A_266 : vector<16xf32>
        tpu.vector_store_idx %arg8[%add3A_26, %broadcast_in_dim3A_257], %mul3A_267 : memref<256x64xf32, #tpu.memory_space<vmem>>[vector<16xi32>, vector<16xi32>], vector<16xf32>,
        %broadcast_in_dim3A_268 = arith.constant 19 : i32
        %broadcast_in_dim3A_269 = vector.broadcast %broadcast_in_dim3A_268 : i32 to vector<16xi32>
        %gather3A_270 = tpu.vector_load_idx %arg7[%get3A_29, %broadcast_in_dim3A_269] : memref<1000x64xf32, #tpu.memory_space<vmem>>[vector<16xi32>, vector<16xi32>], vector<16xf32>,
        %gather3A_271 = tpu.vector_load_idx %arg7[%get3A_33, %broadcast_in_dim3A_269] : memref<1000x64xf32, #tpu.memory_space<vmem>>[vector<16xi32>, vector<16xi32>], vector<16xf32>,
        %add3A_272 = arith.addf %gather3A_270, %gather3A_271 : vector<16xf32>
        %gather3A_273 = tpu.vector_load_idx %arg7[%get3A_37, %broadcast_in_dim3A_269] : memref<1000x64xf32, #tpu.memory_space<vmem>>[vector<16xi32>, vector<16xi32>], vector<16xf32>,
        %add3A_274 = arith.addf %add3A_272, %gather3A_273 : vector<16xf32>
        %gather3A_275 = tpu.vector_load_idx %arg7[%get3A_41, %broadcast_in_dim3A_269] : memref<1000x64xf32, #tpu.memory_space<vmem>>[vector<16xi32>, vector<16xi32>], vector<16xf32>,
        %add3A_276 = arith.addf %add3A_274, %gather3A_275 : vector<16xf32>
        %mul3A_277 = arith.constant 2.500000e-01 : f32
        %mul3A_278 = vector.broadcast %mul3A_277 : f32 to vector<16xf32>
        %mul3A_279 = arith.mulf %add3A_276, %mul3A_278 : vector<16xf32>
        tpu.vector_store_idx %arg8[%add3A_26, %broadcast_in_dim3A_269], %mul3A_279 : memref<256x64xf32, #tpu.memory_space<vmem>>[vector<16xi32>, vector<16xi32>], vector<16xf32>,
        %broadcast_in_dim3A_280 = arith.constant 20 : i32
        %broadcast_in_dim3A_281 = vector.broadcast %broadcast_in_dim3A_280 : i32 to vector<16xi32>
        %gather3A_282 = tpu.vector_load_idx %arg7[%get3A_29, %broadcast_in_dim3A_281] : memref<1000x64xf32, #tpu.memory_space<vmem>>[vector<16xi32>, vector<16xi32>], vector<16xf32>,
        %gather3A_283 = tpu.vector_load_idx %arg7[%get3A_33, %broadcast_in_dim3A_281] : memref<1000x64xf32, #tpu.memory_space<vmem>>[vector<16xi32>, vector<16xi32>], vector<16xf32>,
        %add3A_284 = arith.addf %gather3A_282, %gather3A_283 : vector<16xf32>
        %gather3A_285 = tpu.vector_load_idx %arg7[%get3A_37, %broadcast_in_dim3A_281] : memref<1000x64xf32, #tpu.memory_space<vmem>>[vector<16xi32>, vector<16xi32>], vector<16xf32>,
        %add3A_286 = arith.addf %add3A_284, %gather3A_285 : vector<16xf32>
        %gather3A_287 = tpu.vector_load_idx %arg7[%get3A_41, %broadcast_in_dim3A_281] : memref<1000x64xf32, #tpu.memory_space<vmem>>[vector<16xi32>, vector<16xi32>], vector<16xf32>,
        %add3A_288 = arith.addf %add3A_286, %gather3A_287 : vector<16xf32>
        %mul3A_289 = arith.constant 2.500000e-01 : f32
        %mul3A_290 = vector.broadcast %mul3A_289 : f32 to vector<16xf32>
        %mul3A_291 = arith.mulf %add3A_288, %mul3A_290 : vector<16xf32>
        tpu.vector_store_idx %arg8[%add3A_26, %broadcast_in_dim3A_281], %mul3A_291 : memref<256x64xf32, #tpu.memory_space<vmem>>[vector<16xi32>, vector<16xi32>], vector<16xf32>,
        %broadcast_in_dim3A_292 = arith.constant 21 : i32
        %broadcast_in_dim3A_293 = vector.broadcast %broadcast_in_dim3A_292 : i32 to vector<16xi32>
        %gather3A_294 = tpu.vector_load_idx %arg7[%get3A_29, %broadcast_in_dim3A_293] : memref<1000x64xf32, #tpu.memory_space<vmem>>[vector<16xi32>, vector<16xi32>], vector<16xf32>,
        %gather3A_295 = tpu.vector_load_idx %arg7[%get3A_33, %broadcast_in_dim3A_293] : memref<1000x64xf32, #tpu.memory_space<vmem>>[vector<16xi32>, vector<16xi32>], vector<16xf32>,
        %add3A_296 = arith.addf %gather3A_294, %gather3A_295 : vector<16xf32>
        %gather3A_297 = tpu.vector_load_idx %arg7[%get3A_37, %broadcast_in_dim3A_293] : memref<1000x64xf32, #tpu.memory_space<vmem>>[vector<16xi32>, vector<16xi32>], vector<16xf32>,
        %add3A_298 = arith.addf %add3A_296, %gather3A_297 : vector<16xf32>
        %gather3A_299 = tpu.vector_load_idx %arg7[%get3A_41, %broadcast_in_dim3A_293] : memref<1000x64xf32, #tpu.memory_space<vmem>>[vector<16xi32>, vector<16xi32>], vector<16xf32>,
        %add3A_300 = arith.addf %add3A_298, %gather3A_299 : vector<16xf32>
        %mul3A_301 = arith.constant 2.500000e-01 : f32
        %mul3A_302 = vector.broadcast %mul3A_301 : f32 to vector<16xf32>
        %mul3A_303 = arith.mulf %add3A_300, %mul3A_302 : vector<16xf32>
        tpu.vector_store_idx %arg8[%add3A_26, %broadcast_in_dim3A_293], %mul3A_303 : memref<256x64xf32, #tpu.memory_space<vmem>>[vector<16xi32>, vector<16xi32>], vector<16xf32>,
        %broadcast_in_dim3A_304 = arith.constant 22 : i32
        %broadcast_in_dim3A_305 = vector.broadcast %broadcast_in_dim3A_304 : i32 to vector<16xi32>
        %gather3A_306 = tpu.vector_load_idx %arg7[%get3A_29, %broadcast_in_dim3A_305] : memref<1000x64xf32, #tpu.memory_space<vmem>>[vector<16xi32>, vector<16xi32>], vector<16xf32>,
        %gather3A_307 = tpu.vector_load_idx %arg7[%get3A_33, %broadcast_in_dim3A_305] : memref<1000x64xf32, #tpu.memory_space<vmem>>[vector<16xi32>, vector<16xi32>], vector<16xf32>,
        %add3A_308 = arith.addf %gather3A_306, %gather3A_307 : vector<16xf32>
        %gather3A_309 = tpu.vector_load_idx %arg7[%get3A_37, %broadcast_in_dim3A_305] : memref<1000x64xf32, #tpu.memory_space<vmem>>[vector<16xi32>, vector<16xi32>], vector<16xf32>,
        %add3A_310 = arith.addf %add3A_308, %gather3A_309 : vector<16xf32>
        %gather3A_311 = tpu.vector_load_idx %arg7[%get3A_41, %broadcast_in_dim3A_305] : memref<1000x64xf32, #tpu.memory_space<vmem>>[vector<16xi32>, vector<16xi32>], vector<16xf32>,
        %add3A_312 = arith.addf %add3A_310, %gather3A_311 : vector<16xf32>
        %mul3A_313 = arith.constant 2.500000e-01 : f32
        %mul3A_314 = vector.broadcast %mul3A_313 : f32 to vector<16xf32>
        %mul3A_315 = arith.mulf %add3A_312, %mul3A_314 : vector<16xf32>
        tpu.vector_store_idx %arg8[%add3A_26, %broadcast_in_dim3A_305], %mul3A_315 : memref<256x64xf32, #tpu.memory_space<vmem>>[vector<16xi32>, vector<16xi32>], vector<16xf32>,
        %broadcast_in_dim3A_316 = arith.constant 23 : i32
        %broadcast_in_dim3A_317 = vector.broadcast %broadcast_in_dim3A_316 : i32 to vector<16xi32>
        %gather3A_318 = tpu.vector_load_idx %arg7[%get3A_29, %broadcast_in_dim3A_317] : memref<1000x64xf32, #tpu.memory_space<vmem>>[vector<16xi32>, vector<16xi32>], vector<16xf32>,
        %gather3A_319 = tpu.vector_load_idx %arg7[%get3A_33, %broadcast_in_dim3A_317] : memref<1000x64xf32, #tpu.memory_space<vmem>>[vector<16xi32>, vector<16xi32>], vector<16xf32>,
        %add3A_320 = arith.addf %gather3A_318, %gather3A_319 : vector<16xf32>
        %gather3A_321 = tpu.vector_load_idx %arg7[%get3A_37, %broadcast_in_dim3A_317] : memref<1000x64xf32, #tpu.memory_space<vmem>>[vector<16xi32>, vector<16xi32>], vector<16xf32>,
        %add3A_322 = arith.addf %add3A_320, %gather3A_321 : vector<16xf32>
        %gather3A_323 = tpu.vector_load_idx %arg7[%get3A_41, %broadcast_in_dim3A_317] : memref<1000x64xf32, #tpu.memory_space<vmem>>[vector<16xi32>, vector<16xi32>], vector<16xf32>,
        %add3A_324 = arith.addf %add3A_322, %gather3A_323 : vector<16xf32>
        %mul3A_325 = arith.constant 2.500000e-01 : f32
        %mul3A_326 = vector.broadcast %mul3A_325 : f32 to vector<16xf32>
        %mul3A_327 = arith.mulf %add3A_324, %mul3A_326 : vector<16xf32>
        tpu.vector_store_idx %arg8[%add3A_26, %broadcast_in_dim3A_317], %mul3A_327 : memref<256x64xf32, #tpu.memory_space<vmem>>[vector<16xi32>, vector<16xi32>], vector<16xf32>,
        %broadcast_in_dim3A_328 = arith.constant 24 : i32
        %broadcast_in_dim3A_329 = vector.broadcast %broadcast_in_dim3A_328 : i32 to vector<16xi32>
        %gather3A_330 = tpu.vector_load_idx %arg7[%get3A_29, %broadcast_in_dim3A_329] : memref<1000x64xf32, #tpu.memory_space<vmem>>[vector<16xi32>, vector<16xi32>], vector<16xf32>,
        %gather3A_331 = tpu.vector_load_idx %arg7[%get3A_33, %broadcast_in_dim3A_329] : memref<1000x64xf32, #tpu.memory_space<vmem>>[vector<16xi32>, vector<16xi32>], vector<16xf32>,
        %add3A_332 = arith.addf %gather3A_330, %gather3A_331 : vector<16xf32>
        %gather3A_333 = tpu.vector_load_idx %arg7[%get3A_37, %broadcast_in_dim3A_329] : memref<1000x64xf32, #tpu.memory_space<vmem>>[vector<16xi32>, vector<16xi32>], vector<16xf32>,
        %add3A_334 = arith.addf %add3A_332, %gather3A_333 : vector<16xf32>
        %gather3A_335 = tpu.vector_load_idx %arg7[%get3A_41, %broadcast_in_dim3A_329] : memref<1000x64xf32, #tpu.memory_space<vmem>>[vector<16xi32>, vector<16xi32>], vector<16xf32>,
        %add3A_336 = arith.addf %add3A_334, %gather3A_335 : vector<16xf32>
        %mul3A_337 = arith.constant 2.500000e-01 : f32
        %mul3A_338 = vector.broadcast %mul3A_337 : f32 to vector<16xf32>
        %mul3A_339 = arith.mulf %add3A_336, %mul3A_338 : vector<16xf32>
        tpu.vector_store_idx %arg8[%add3A_26, %broadcast_in_dim3A_329], %mul3A_339 : memref<256x64xf32, #tpu.memory_space<vmem>>[vector<16xi32>, vector<16xi32>], vector<16xf32>,
        %broadcast_in_dim3A_340 = arith.constant 25 : i32
        %broadcast_in_dim3A_341 = vector.broadcast %broadcast_in_dim3A_340 : i32 to vector<16xi32>
        %gather3A_342 = tpu.vector_load_idx %arg7[%get3A_29, %broadcast_in_dim3A_341] : memref<1000x64xf32, #tpu.memory_space<vmem>>[vector<16xi32>, vector<16xi32>], vector<16xf32>,
        %gather3A_343 = tpu.vector_load_idx %arg7[%get3A_33, %broadcast_in_dim3A_341] : memref<1000x64xf32, #tpu.memory_space<vmem>>[vector<16xi32>, vector<16xi32>], vector<16xf32>,
        %add3A_344 = arith.addf %gather3A_342, %gather3A_343 : vector<16xf32>
        %gather3A_345 = tpu.vector_load_idx %arg7[%get3A_37, %broadcast_in_dim3A_341] : memref<1000x64xf32, #tpu.memory_space<vmem>>[vector<16xi32>, vector<16xi32>], vector<16xf32>,
        %add3A_346 = arith.addf %add3A_344, %gather3A_345 : vector<16xf32>
        %gather3A_347 = tpu.vector_load_idx %arg7[%get3A_41, %broadcast_in_dim3A_341] : memref<1000x64xf32, #tpu.memory_space<vmem>>[vector<16xi32>, vector<16xi32>], vector<16xf32>,
        %add3A_348 = arith.addf %add3A_346, %gather3A_347 : vector<16xf32>
        %mul3A_349 = arith.constant 2.500000e-01 : f32
        %mul3A_350 = vector.broadcast %mul3A_349 : f32 to vector<16xf32>
        %mul3A_351 = arith.mulf %add3A_348, %mul3A_350 : vector<16xf32>
        tpu.vector_store_idx %arg8[%add3A_26, %broadcast_in_dim3A_341], %mul3A_351 : memref<256x64xf32, #tpu.memory_space<vmem>>[vector<16xi32>, vector<16xi32>], vector<16xf32>,
        %broadcast_in_dim3A_352 = arith.constant 26 : i32
        %broadcast_in_dim3A_353 = vector.broadcast %broadcast_in_dim3A_352 : i32 to vector<16xi32>
        %gather3A_354 = tpu.vector_load_idx %arg7[%get3A_29, %broadcast_in_dim3A_353] : memref<1000x64xf32, #tpu.memory_space<vmem>>[vector<16xi32>, vector<16xi32>], vector<16xf32>,
        %gather3A_355 = tpu.vector_load_idx %arg7[%get3A_33, %broadcast_in_dim3A_353] : memref<1000x64xf32, #tpu.memory_space<vmem>>[vector<16xi32>, vector<16xi32>], vector<16xf32>,
        %add3A_356 = arith.addf %gather3A_354, %gather3A_355 : vector<16xf32>
        %gather3A_357 = tpu.vector_load_idx %arg7[%get3A_37, %broadcast_in_dim3A_353] : memref<1000x64xf32, #tpu.memory_space<vmem>>[vector<16xi32>, vector<16xi32>], vector<16xf32>,
        %add3A_358 = arith.addf %add3A_356, %gather3A_357 : vector<16xf32>
        %gather3A_359 = tpu.vector_load_idx %arg7[%get3A_41, %broadcast_in_dim3A_353] : memref<1000x64xf32, #tpu.memory_space<vmem>>[vector<16xi32>, vector<16xi32>], vector<16xf32>,
        %add3A_360 = arith.addf %add3A_358, %gather3A_359 : vector<16xf32>
        %mul3A_361 = arith.constant 2.500000e-01 : f32
        %mul3A_362 = vector.broadcast %mul3A_361 : f32 to vector<16xf32>
        %mul3A_363 = arith.mulf %add3A_360, %mul3A_362 : vector<16xf32>
        tpu.vector_store_idx %arg8[%add3A_26, %broadcast_in_dim3A_353], %mul3A_363 : memref<256x64xf32, #tpu.memory_space<vmem>>[vector<16xi32>, vector<16xi32>], vector<16xf32>,
        %broadcast_in_dim3A_364 = arith.constant 27 : i32
        %broadcast_in_dim3A_365 = vector.broadcast %broadcast_in_dim3A_364 : i32 to vector<16xi32>
        %gather3A_366 = tpu.vector_load_idx %arg7[%get3A_29, %broadcast_in_dim3A_365] : memref<1000x64xf32, #tpu.memory_space<vmem>>[vector<16xi32>, vector<16xi32>], vector<16xf32>,
        %gather3A_367 = tpu.vector_load_idx %arg7[%get3A_33, %broadcast_in_dim3A_365] : memref<1000x64xf32, #tpu.memory_space<vmem>>[vector<16xi32>, vector<16xi32>], vector<16xf32>,
        %add3A_368 = arith.addf %gather3A_366, %gather3A_367 : vector<16xf32>
        %gather3A_369 = tpu.vector_load_idx %arg7[%get3A_37, %broadcast_in_dim3A_365] : memref<1000x64xf32, #tpu.memory_space<vmem>>[vector<16xi32>, vector<16xi32>], vector<16xf32>,
        %add3A_370 = arith.addf %add3A_368, %gather3A_369 : vector<16xf32>
        %gather3A_371 = tpu.vector_load_idx %arg7[%get3A_41, %broadcast_in_dim3A_365] : memref<1000x64xf32, #tpu.memory_space<vmem>>[vector<16xi32>, vector<16xi32>], vector<16xf32>,
        %add3A_372 = arith.addf %add3A_370, %gather3A_371 : vector<16xf32>
        %mul3A_373 = arith.constant 2.500000e-01 : f32
        %mul3A_374 = vector.broadcast %mul3A_373 : f32 to vector<16xf32>
        %mul3A_375 = arith.mulf %add3A_372, %mul3A_374 : vector<16xf32>
        tpu.vector_store_idx %arg8[%add3A_26, %broadcast_in_dim3A_365], %mul3A_375 : memref<256x64xf32, #tpu.memory_space<vmem>>[vector<16xi32>, vector<16xi32>], vector<16xf32>,
        %broadcast_in_dim3A_376 = arith.constant 28 : i32
        %broadcast_in_dim3A_377 = vector.broadcast %broadcast_in_dim3A_376 : i32 to vector<16xi32>
        %gather3A_378 = tpu.vector_load_idx %arg7[%get3A_29, %broadcast_in_dim3A_377] : memref<1000x64xf32, #tpu.memory_space<vmem>>[vector<16xi32>, vector<16xi32>], vector<16xf32>,
        %gather3A_379 = tpu.vector_load_idx %arg7[%get3A_33, %broadcast_in_dim3A_377] : memref<1000x64xf32, #tpu.memory_space<vmem>>[vector<16xi32>, vector<16xi32>], vector<16xf32>,
        %add3A_380 = arith.addf %gather3A_378, %gather3A_379 : vector<16xf32>
        %gather3A_381 = tpu.vector_load_idx %arg7[%get3A_37, %broadcast_in_dim3A_377] : memref<1000x64xf32, #tpu.memory_space<vmem>>[vector<16xi32>, vector<16xi32>], vector<16xf32>,
        %add3A_382 = arith.addf %add3A_380, %gather3A_381 : vector<16xf32>
        %gather3A_383 = tpu.vector_load_idx %arg7[%get3A_41, %broadcast_in_dim3A_377] : memref<1000x64xf32, #tpu.memory_space<vmem>>[vector<16xi32>, vector<16xi32>], vector<16xf32>,
        %add3A_384 = arith.addf %add3A_382, %gather3A_383 : vector<16xf32>
        %mul3A_385 = arith.constant 2.500000e-01 : f32
        %mul3A_386 = vector.broadcast %mul3A_385 : f32 to vector<16xf32>
        %mul3A_387 = arith.mulf %add3A_384, %mul3A_386 : vector<16xf32>
        tpu.vector_store_idx %arg8[%add3A_26, %broadcast_in_dim3A_377], %mul3A_387 : memref<256x64xf32, #tpu.memory_space<vmem>>[vector<16xi32>, vector<16xi32>], vector<16xf32>,
        %broadcast_in_dim3A_388 = arith.constant 29 : i32
        %broadcast_in_dim3A_389 = vector.broadcast %broadcast_in_dim3A_388 : i32 to vector<16xi32>
        %gather3A_390 = tpu.vector_load_idx %arg7[%get3A_29, %broadcast_in_dim3A_389] : memref<1000x64xf32, #tpu.memory_space<vmem>>[vector<16xi32>, vector<16xi32>], vector<16xf32>,
        %gather3A_391 = tpu.vector_load_idx %arg7[%get3A_33, %broadcast_in_dim3A_389] : memref<1000x64xf32, #tpu.memory_space<vmem>>[vector<16xi32>, vector<16xi32>], vector<16xf32>,
        %add3A_392 = arith.addf %gather3A_390, %gather3A_391 : vector<16xf32>
        %gather3A_393 = tpu.vector_load_idx %arg7[%get3A_37, %broadcast_in_dim3A_389] : memref<1000x64xf32, #tpu.memory_space<vmem>>[vector<16xi32>, vector<16xi32>], vector<16xf32>,
        %add3A_394 = arith.addf %add3A_392, %gather3A_393 : vector<16xf32>
        %gather3A_395 = tpu.vector_load_idx %arg7[%get3A_41, %broadcast_in_dim3A_389] : memref<1000x64xf32, #tpu.memory_space<vmem>>[vector<16xi32>, vector<16xi32>], vector<16xf32>,
        %add3A_396 = arith.addf %add3A_394, %gather3A_395 : vector<16xf32>
        %mul3A_397 = arith.constant 2.500000e-01 : f32
        %mul3A_398 = vector.broadcast %mul3A_397 : f32 to vector<16xf32>
        %mul3A_399 = arith.mulf %add3A_396, %mul3A_398 : vector<16xf32>
        tpu.vector_store_idx %arg8[%add3A_26, %broadcast_in_dim3A_389], %mul3A_399 : memref<256x64xf32, #tpu.memory_space<vmem>>[vector<16xi32>, vector<16xi32>], vector<16xf32>,
        %broadcast_in_dim3A_400 = arith.constant 30 : i32
        %broadcast_in_dim3A_401 = vector.broadcast %broadcast_in_dim3A_400 : i32 to vector<16xi32>
        %gather3A_402 = tpu.vector_load_idx %arg7[%get3A_29, %broadcast_in_dim3A_401] : memref<1000x64xf32, #tpu.memory_space<vmem>>[vector<16xi32>, vector<16xi32>], vector<16xf32>,
        %gather3A_403 = tpu.vector_load_idx %arg7[%get3A_33, %broadcast_in_dim3A_401] : memref<1000x64xf32, #tpu.memory_space<vmem>>[vector<16xi32>, vector<16xi32>], vector<16xf32>,
        %add3A_404 = arith.addf %gather3A_402, %gather3A_403 : vector<16xf32>
        %gather3A_405 = tpu.vector_load_idx %arg7[%get3A_37, %broadcast_in_dim3A_401] : memref<1000x64xf32, #tpu.memory_space<vmem>>[vector<16xi32>, vector<16xi32>], vector<16xf32>,
        %add3A_406 = arith.addf %add3A_404, %gather3A_405 : vector<16xf32>
        %gather3A_407 = tpu.vector_load_idx %arg7[%get3A_41, %broadcast_in_dim3A_401] : memref<1000x64xf32, #tpu.memory_space<vmem>>[vector<16xi32>, vector<16xi32>], vector<16xf32>,
        %add3A_408 = arith.addf %add3A_406, %gather3A_407 : vector<16xf32>
        %mul3A_409 = arith.constant 2.500000e-01 : f32
        %mul3A_410 = vector.broadcast %mul3A_409 : f32 to vector<16xf32>
        %mul3A_411 = arith.mulf %add3A_408, %mul3A_410 : vector<16xf32>
        tpu.vector_store_idx %arg8[%add3A_26, %broadcast_in_dim3A_401], %mul3A_411 : memref<256x64xf32, #tpu.memory_space<vmem>>[vector<16xi32>, vector<16xi32>], vector<16xf32>,
        %broadcast_in_dim3A_412 = arith.constant 31 : i32
        %broadcast_in_dim3A_413 = vector.broadcast %broadcast_in_dim3A_412 : i32 to vector<16xi32>
        %gather3A_414 = tpu.vector_load_idx %arg7[%get3A_29, %broadcast_in_dim3A_413] : memref<1000x64xf32, #tpu.memory_space<vmem>>[vector<16xi32>, vector<16xi32>], vector<16xf32>,
        %gather3A_415 = tpu.vector_load_idx %arg7[%get3A_33, %broadcast_in_dim3A_413] : memref<1000x64xf32, #tpu.memory_space<vmem>>[vector<16xi32>, vector<16xi32>], vector<16xf32>,
        %add3A_416 = arith.addf %gather3A_414, %gather3A_415 : vector<16xf32>
        %gather3A_417 = tpu.vector_load_idx %arg7[%get3A_37, %broadcast_in_dim3A_413] : memref<1000x64xf32, #tpu.memory_space<vmem>>[vector<16xi32>, vector<16xi32>], vector<16xf32>,
        %add3A_418 = arith.addf %add3A_416, %gather3A_417 : vector<16xf32>
        %gather3A_419 = tpu.vector_load_idx %arg7[%get3A_41, %broadcast_in_dim3A_413] : memref<1000x64xf32, #tpu.memory_space<vmem>>[vector<16xi32>, vector<16xi32>], vector<16xf32>,
        %add3A_420 = arith.addf %add3A_418, %gather3A_419 : vector<16xf32>
        %mul3A_421 = arith.constant 2.500000e-01 : f32
        %mul3A_422 = vector.broadcast %mul3A_421 : f32 to vector<16xf32>
        %mul3A_423 = arith.mulf %add3A_420, %mul3A_422 : vector<16xf32>
        tpu.vector_store_idx %arg8[%add3A_26, %broadcast_in_dim3A_413], %mul3A_423 : memref<256x64xf32, #tpu.memory_space<vmem>>[vector<16xi32>, vector<16xi32>], vector<16xf32>,
        %broadcast_in_dim3A_424 = arith.constant 32 : i32
        %broadcast_in_dim3A_425 = vector.broadcast %broadcast_in_dim3A_424 : i32 to vector<16xi32>
        %gather3A_426 = tpu.vector_load_idx %arg7[%get3A_29, %broadcast_in_dim3A_425] : memref<1000x64xf32, #tpu.memory_space<vmem>>[vector<16xi32>, vector<16xi32>], vector<16xf32>,
        %gather3A_427 = tpu.vector_load_idx %arg7[%get3A_33, %broadcast_in_dim3A_425] : memref<1000x64xf32, #tpu.memory_space<vmem>>[vector<16xi32>, vector<16xi32>], vector<16xf32>,
        %add3A_428 = arith.addf %gather3A_426, %gather3A_427 : vector<16xf32>
        %gather3A_429 = tpu.vector_load_idx %arg7[%get3A_37, %broadcast_in_dim3A_425] : memref<1000x64xf32, #tpu.memory_space<vmem>>[vector<16xi32>, vector<16xi32>], vector<16xf32>,
        %add3A_430 = arith.addf %add3A_428, %gather3A_429 : vector<16xf32>
        %gather3A_431 = tpu.vector_load_idx %arg7[%get3A_41, %broadcast_in_dim3A_425] : memref<1000x64xf32, #tpu.memory_space<vmem>>[vector<16xi32>, vector<16xi32>], vector<16xf32>,
        %add3A_432 = arith.addf %add3A_430, %gather3A_431 : vector<16xf32>
        %mul3A_433 = arith.constant 2.500000e-01 : f32
        %mul3A_434 = vector.broadcast %mul3A_433 : f32 to vector<16xf32>
        %mul3A_435 = arith.mulf %add3A_432, %mul3A_434 : vector<16xf32>
        tpu.vector_store_idx %arg8[%add3A_26, %broadcast_in_dim3A_425], %mul3A_435 : memref<256x64xf32, #tpu.memory_space<vmem>>[vector<16xi32>, vector<16xi32>], vector<16xf32>,
        %broadcast_in_dim3A_436 = arith.constant 33 : i32
        %broadcast_in_dim3A_437 = vector.broadcast %broadcast_in_dim3A_436 : i32 to vector<16xi32>
        %gather3A_438 = tpu.vector_load_idx %arg7[%get3A_29, %broadcast_in_dim3A_437] : memref<1000x64xf32, #tpu.memory_space<vmem>>[vector<16xi32>, vector<16xi32>], vector<16xf32>,
        %gather3A_439 = tpu.vector_load_idx %arg7[%get3A_33, %broadcast_in_dim3A_437] : memref<1000x64xf32, #tpu.memory_space<vmem>>[vector<16xi32>, vector<16xi32>], vector<16xf32>,
        %add3A_440 = arith.addf %gather3A_438, %gather3A_439 : vector<16xf32>
        %gather3A_441 = tpu.vector_load_idx %arg7[%get3A_37, %broadcast_in_dim3A_437] : memref<1000x64xf32, #tpu.memory_space<vmem>>[vector<16xi32>, vector<16xi32>], vector<16xf32>,
        %add3A_442 = arith.addf %add3A_440, %gather3A_441 : vector<16xf32>
        %gather3A_443 = tpu.vector_load_idx %arg7[%get3A_41, %broadcast_in_dim3A_437] : memref<1000x64xf32, #tpu.memory_space<vmem>>[vector<16xi32>, vector<16xi32>], vector<16xf32>,
        %add3A_444 = arith.addf %add3A_442, %gather3A_443 : vector<16xf32>
        %mul3A_445 = arith.constant 2.500000e-01 : f32
        %mul3A_446 = vector.broadcast %mul3A_445 : f32 to vector<16xf32>
        %mul3A_447 = arith.mulf %add3A_444, %mul3A_446 : vector<16xf32>
        tpu.vector_store_idx %arg8[%add3A_26, %broadcast_in_dim3A_437], %mul3A_447 : memref<256x64xf32, #tpu.memory_space<vmem>>[vector<16xi32>, vector<16xi32>], vector<16xf32>,
        %broadcast_in_dim3A_448 = arith.constant 34 : i32
        %broadcast_in_dim3A_449 = vector.broadcast %broadcast_in_dim3A_448 : i32 to vector<16xi32>
        %gather3A_450 = tpu.vector_load_idx %arg7[%get3A_29, %broadcast_in_dim3A_449] : memref<1000x64xf32, #tpu.memory_space<vmem>>[vector<16xi32>, vector<16xi32>], vector<16xf32>,
        %gather3A_451 = tpu.vector_load_idx %arg7[%get3A_33, %broadcast_in_dim3A_449] : memref<1000x64xf32, #tpu.memory_space<vmem>>[vector<16xi32>, vector<16xi32>], vector<16xf32>,
        %add3A_452 = arith.addf %gather3A_450, %gather3A_451 : vector<16xf32>
        %gather3A_453 = tpu.vector_load_idx %arg7[%get3A_37, %broadcast_in_dim3A_449] : memref<1000x64xf32, #tpu.memory_space<vmem>>[vector<16xi32>, vector<16xi32>], vector<16xf32>,
        %add3A_454 = arith.addf %add3A_452, %gather3A_453 : vector<16xf32>
        %gather3A_455 = tpu.vector_load_idx %arg7[%get3A_41, %broadcast_in_dim3A_449] : memref<1000x64xf32, #tpu.memory_space<vmem>>[vector<16xi32>, vector<16xi32>], vector<16xf32>,
        %add3A_456 = arith.addf %add3A_454, %gather3A_455 : vector<16xf32>
        %mul3A_457 = arith.constant 2.500000e-01 : f32
        %mul3A_458 = vector.broadcast %mul3A_457 : f32 to vector<16xf32>
        %mul3A_459 = arith.mulf %add3A_456, %mul3A_458 : vector<16xf32>
        tpu.vector_store_idx %arg8[%add3A_26, %broadcast_in_dim3A_449], %mul3A_459 : memref<256x64xf32, #tpu.memory_space<vmem>>[vector<16xi32>, vector<16xi32>], vector<16xf32>,
        %broadcast_in_dim3A_460 = arith.constant 35 : i32
        %broadcast_in_dim3A_461 = vector.broadcast %broadcast_in_dim3A_460 : i32 to vector<16xi32>
        %gather3A_462 = tpu.vector_load_idx %arg7[%get3A_29, %broadcast_in_dim3A_461] : memref<1000x64xf32, #tpu.memory_space<vmem>>[vector<16xi32>, vector<16xi32>], vector<16xf32>,
        %gather3A_463 = tpu.vector_load_idx %arg7[%get3A_33, %broadcast_in_dim3A_461] : memref<1000x64xf32, #tpu.memory_space<vmem>>[vector<16xi32>, vector<16xi32>], vector<16xf32>,
        %add3A_464 = arith.addf %gather3A_462, %gather3A_463 : vector<16xf32>
        %gather3A_465 = tpu.vector_load_idx %arg7[%get3A_37, %broadcast_in_dim3A_461] : memref<1000x64xf32, #tpu.memory_space<vmem>>[vector<16xi32>, vector<16xi32>], vector<16xf32>,
        %add3A_466 = arith.addf %add3A_464, %gather3A_465 : vector<16xf32>
        %gather3A_467 = tpu.vector_load_idx %arg7[%get3A_41, %broadcast_in_dim3A_461] : memref<1000x64xf32, #tpu.memory_space<vmem>>[vector<16xi32>, vector<16xi32>], vector<16xf32>,
        %add3A_468 = arith.addf %add3A_466, %gather3A_467 : vector<16xf32>
        %mul3A_469 = arith.constant 2.500000e-01 : f32
        %mul3A_470 = vector.broadcast %mul3A_469 : f32 to vector<16xf32>
        %mul3A_471 = arith.mulf %add3A_468, %mul3A_470 : vector<16xf32>
        tpu.vector_store_idx %arg8[%add3A_26, %broadcast_in_dim3A_461], %mul3A_471 : memref<256x64xf32, #tpu.memory_space<vmem>>[vector<16xi32>, vector<16xi32>], vector<16xf32>,
        %broadcast_in_dim3A_472 = arith.constant 36 : i32
        %broadcast_in_dim3A_473 = vector.broadcast %broadcast_in_dim3A_472 : i32 to vector<16xi32>
        %gather3A_474 = tpu.vector_load_idx %arg7[%get3A_29, %broadcast_in_dim3A_473] : memref<1000x64xf32, #tpu.memory_space<vmem>>[vector<16xi32>, vector<16xi32>], vector<16xf32>,
        %gather3A_475 = tpu.vector_load_idx %arg7[%get3A_33, %broadcast_in_dim3A_473] : memref<1000x64xf32, #tpu.memory_space<vmem>>[vector<16xi32>, vector<16xi32>], vector<16xf32>,
        %add3A_476 = arith.addf %gather3A_474, %gather3A_475 : vector<16xf32>
        %gather3A_477 = tpu.vector_load_idx %arg7[%get3A_37, %broadcast_in_dim3A_473] : memref<1000x64xf32, #tpu.memory_space<vmem>>[vector<16xi32>, vector<16xi32>], vector<16xf32>,
        %add3A_478 = arith.addf %add3A_476, %gather3A_477 : vector<16xf32>
        %gather3A_479 = tpu.vector_load_idx %arg7[%get3A_41, %broadcast_in_dim3A_473] : memref<1000x64xf32, #tpu.memory_space<vmem>>[vector<16xi32>, vector<16xi32>], vector<16xf32>,
        %add3A_480 = arith.addf %add3A_478, %gather3A_479 : vector<16xf32>
        %mul3A_481 = arith.constant 2.500000e-01 : f32
        %mul3A_482 = vector.broadcast %mul3A_481 : f32 to vector<16xf32>
        %mul3A_483 = arith.mulf %add3A_480, %mul3A_482 : vector<16xf32>
        tpu.vector_store_idx %arg8[%add3A_26, %broadcast_in_dim3A_473], %mul3A_483 : memref<256x64xf32, #tpu.memory_space<vmem>>[vector<16xi32>, vector<16xi32>], vector<16xf32>,
        %broadcast_in_dim3A_484 = arith.constant 37 : i32
        %broadcast_in_dim3A_485 = vector.broadcast %broadcast_in_dim3A_484 : i32 to vector<16xi32>
        %gather3A_486 = tpu.vector_load_idx %arg7[%get3A_29, %broadcast_in_dim3A_485] : memref<1000x64xf32, #tpu.memory_space<vmem>>[vector<16xi32>, vector<16xi32>], vector<16xf32>,
        %gather3A_487 = tpu.vector_load_idx %arg7[%get3A_33, %broadcast_in_dim3A_485] : memref<1000x64xf32, #tpu.memory_space<vmem>>[vector<16xi32>, vector<16xi32>], vector<16xf32>,
        %add3A_488 = arith.addf %gather3A_486, %gather3A_487 : vector<16xf32>
        %gather3A_489 = tpu.vector_load_idx %arg7[%get3A_37, %broadcast_in_dim3A_485] : memref<1000x64xf32, #tpu.memory_space<vmem>>[vector<16xi32>, vector<16xi32>], vector<16xf32>,
        %add3A_490 = arith.addf %add3A_488, %gather3A_489 : vector<16xf32>
        %gather3A_491 = tpu.vector_load_idx %arg7[%get3A_41, %broadcast_in_dim3A_485] : memref<1000x64xf32, #tpu.memory_space<vmem>>[vector<16xi32>, vector<16xi32>], vector<16xf32>,
        %add3A_492 = arith.addf %add3A_490, %gather3A_491 : vector<16xf32>
        %mul3A_493 = arith.constant 2.500000e-01 : f32
        %mul3A_494 = vector.broadcast %mul3A_493 : f32 to vector<16xf32>
        %mul3A_495 = arith.mulf %add3A_492, %mul3A_494 : vector<16xf32>
        tpu.vector_store_idx %arg8[%add3A_26, %broadcast_in_dim3A_485], %mul3A_495 : memref<256x64xf32, #tpu.memory_space<vmem>>[vector<16xi32>, vector<16xi32>], vector<16xf32>,
        %broadcast_in_dim3A_496 = arith.constant 38 : i32
        %broadcast_in_dim3A_497 = vector.broadcast %broadcast_in_dim3A_496 : i32 to vector<16xi32>
        %gather3A_498 = tpu.vector_load_idx %arg7[%get3A_29, %broadcast_in_dim3A_497] : memref<1000x64xf32, #tpu.memory_space<vmem>>[vector<16xi32>, vector<16xi32>], vector<16xf32>,
        %gather3A_499 = tpu.vector_load_idx %arg7[%get3A_33, %broadcast_in_dim3A_497] : memref<1000x64xf32, #tpu.memory_space<vmem>>[vector<16xi32>, vector<16xi32>], vector<16xf32>,
        %add3A_500 = arith.addf %gather3A_498, %gather3A_499 : vector<16xf32>
        %gather3A_501 = tpu.vector_load_idx %arg7[%get3A_37, %broadcast_in_dim3A_497] : memref<1000x64xf32, #tpu.memory_space<vmem>>[vector<16xi32>, vector<16xi32>], vector<16xf32>,
        %add3A_502 = arith.addf %add3A_500, %gather3A_501 : vector<16xf32>
        %gather3A_503 = tpu.vector_load_idx %arg7[%get3A_41, %broadcast_in_dim3A_497] : memref<1000x64xf32, #tpu.memory_space<vmem>>[vector<16xi32>, vector<16xi32>], vector<16xf32>,
        %add3A_504 = arith.addf %add3A_502, %gather3A_503 : vector<16xf32>
        %mul3A_505 = arith.constant 2.500000e-01 : f32
        %mul3A_506 = vector.broadcast %mul3A_505 : f32 to vector<16xf32>
        %mul3A_507 = arith.mulf %add3A_504, %mul3A_506 : vector<16xf32>
        tpu.vector_store_idx %arg8[%add3A_26, %broadcast_in_dim3A_497], %mul3A_507 : memref<256x64xf32, #tpu.memory_space<vmem>>[vector<16xi32>, vector<16xi32>], vector<16xf32>,
        %broadcast_in_dim3A_508 = arith.constant 39 : i32
        %broadcast_in_dim3A_509 = vector.broadcast %broadcast_in_dim3A_508 : i32 to vector<16xi32>
        %gather3A_510 = tpu.vector_load_idx %arg7[%get3A_29, %broadcast_in_dim3A_509] : memref<1000x64xf32, #tpu.memory_space<vmem>>[vector<16xi32>, vector<16xi32>], vector<16xf32>,
        %gather3A_511 = tpu.vector_load_idx %arg7[%get3A_33, %broadcast_in_dim3A_509] : memref<1000x64xf32, #tpu.memory_space<vmem>>[vector<16xi32>, vector<16xi32>], vector<16xf32>,
        %add3A_512 = arith.addf %gather3A_510, %gather3A_511 : vector<16xf32>
        %gather3A_513 = tpu.vector_load_idx %arg7[%get3A_37, %broadcast_in_dim3A_509] : memref<1000x64xf32, #tpu.memory_space<vmem>>[vector<16xi32>, vector<16xi32>], vector<16xf32>,
        %add3A_514 = arith.addf %add3A_512, %gather3A_513 : vector<16xf32>
        %gather3A_515 = tpu.vector_load_idx %arg7[%get3A_41, %broadcast_in_dim3A_509] : memref<1000x64xf32, #tpu.memory_space<vmem>>[vector<16xi32>, vector<16xi32>], vector<16xf32>,
        %add3A_516 = arith.addf %add3A_514, %gather3A_515 : vector<16xf32>
        %mul3A_517 = arith.constant 2.500000e-01 : f32
        %mul3A_518 = vector.broadcast %mul3A_517 : f32 to vector<16xf32>
        %mul3A_519 = arith.mulf %add3A_516, %mul3A_518 : vector<16xf32>
        tpu.vector_store_idx %arg8[%add3A_26, %broadcast_in_dim3A_509], %mul3A_519 : memref<256x64xf32, #tpu.memory_space<vmem>>[vector<16xi32>, vector<16xi32>], vector<16xf32>,
        %broadcast_in_dim3A_520 = arith.constant 40 : i32
        %broadcast_in_dim3A_521 = vector.broadcast %broadcast_in_dim3A_520 : i32 to vector<16xi32>
        %gather3A_522 = tpu.vector_load_idx %arg7[%get3A_29, %broadcast_in_dim3A_521] : memref<1000x64xf32, #tpu.memory_space<vmem>>[vector<16xi32>, vector<16xi32>], vector<16xf32>,
        %gather3A_523 = tpu.vector_load_idx %arg7[%get3A_33, %broadcast_in_dim3A_521] : memref<1000x64xf32, #tpu.memory_space<vmem>>[vector<16xi32>, vector<16xi32>], vector<16xf32>,
        %add3A_524 = arith.addf %gather3A_522, %gather3A_523 : vector<16xf32>
        %gather3A_525 = tpu.vector_load_idx %arg7[%get3A_37, %broadcast_in_dim3A_521] : memref<1000x64xf32, #tpu.memory_space<vmem>>[vector<16xi32>, vector<16xi32>], vector<16xf32>,
        %add3A_526 = arith.addf %add3A_524, %gather3A_525 : vector<16xf32>
        %gather3A_527 = tpu.vector_load_idx %arg7[%get3A_41, %broadcast_in_dim3A_521] : memref<1000x64xf32, #tpu.memory_space<vmem>>[vector<16xi32>, vector<16xi32>], vector<16xf32>,
        %add3A_528 = arith.addf %add3A_526, %gather3A_527 : vector<16xf32>
        %mul3A_529 = arith.constant 2.500000e-01 : f32
        %mul3A_530 = vector.broadcast %mul3A_529 : f32 to vector<16xf32>
        %mul3A_531 = arith.mulf %add3A_528, %mul3A_530 : vector<16xf32>
        tpu.vector_store_idx %arg8[%add3A_26, %broadcast_in_dim3A_521], %mul3A_531 : memref<256x64xf32, #tpu.memory_space<vmem>>[vector<16xi32>, vector<16xi32>], vector<16xf32>,
        %broadcast_in_dim3A_532 = arith.constant 41 : i32
        %broadcast_in_dim3A_533 = vector.broadcast %broadcast_in_dim3A_532 : i32 to vector<16xi32>
        %gather3A_534 = tpu.vector_load_idx %arg7[%get3A_29, %broadcast_in_dim3A_533] : memref<1000x64xf32, #tpu.memory_space<vmem>>[vector<16xi32>, vector<16xi32>], vector<16xf32>,
        %gather3A_535 = tpu.vector_load_idx %arg7[%get3A_33, %broadcast_in_dim3A_533] : memref<1000x64xf32, #tpu.memory_space<vmem>>[vector<16xi32>, vector<16xi32>], vector<16xf32>,
        %add3A_536 = arith.addf %gather3A_534, %gather3A_535 : vector<16xf32>
        %gather3A_537 = tpu.vector_load_idx %arg7[%get3A_37, %broadcast_in_dim3A_533] : memref<1000x64xf32, #tpu.memory_space<vmem>>[vector<16xi32>, vector<16xi32>], vector<16xf32>,
        %add3A_538 = arith.addf %add3A_536, %gather3A_537 : vector<16xf32>
        %gather3A_539 = tpu.vector_load_idx %arg7[%get3A_41, %broadcast_in_dim3A_533] : memref<1000x64xf32, #tpu.memory_space<vmem>>[vector<16xi32>, vector<16xi32>], vector<16xf32>,
        %add3A_540 = arith.addf %add3A_538, %gather3A_539 : vector<16xf32>
        %mul3A_541 = arith.constant 2.500000e-01 : f32
        %mul3A_542 = vector.broadcast %mul3A_541 : f32 to vector<16xf32>
        %mul3A_543 = arith.mulf %add3A_540, %mul3A_542 : vector<16xf32>
        tpu.vector_store_idx %arg8[%add3A_26, %broadcast_in_dim3A_533], %mul3A_543 : memref<256x64xf32, #tpu.memory_space<vmem>>[vector<16xi32>, vector<16xi32>], vector<16xf32>,
        %broadcast_in_dim3A_544 = arith.constant 42 : i32
        %broadcast_in_dim3A_545 = vector.broadcast %broadcast_in_dim3A_544 : i32 to vector<16xi32>
        %gather3A_546 = tpu.vector_load_idx %arg7[%get3A_29, %broadcast_in_dim3A_545] : memref<1000x64xf32, #tpu.memory_space<vmem>>[vector<16xi32>, vector<16xi32>], vector<16xf32>,
        %gather3A_547 = tpu.vector_load_idx %arg7[%get3A_33, %broadcast_in_dim3A_545] : memref<1000x64xf32, #tpu.memory_space<vmem>>[vector<16xi32>, vector<16xi32>], vector<16xf32>,
        %add3A_548 = arith.addf %gather3A_546, %gather3A_547 : vector<16xf32>
        %gather3A_549 = tpu.vector_load_idx %arg7[%get3A_37, %broadcast_in_dim3A_545] : memref<1000x64xf32, #tpu.memory_space<vmem>>[vector<16xi32>, vector<16xi32>], vector<16xf32>,
        %add3A_550 = arith.addf %add3A_548, %gather3A_549 : vector<16xf32>
        %gather3A_551 = tpu.vector_load_idx %arg7[%get3A_41, %broadcast_in_dim3A_545] : memref<1000x64xf32, #tpu.memory_space<vmem>>[vector<16xi32>, vector<16xi32>], vector<16xf32>,
        %add3A_552 = arith.addf %add3A_550, %gather3A_551 : vector<16xf32>
        %mul3A_553 = arith.constant 2.500000e-01 : f32
        %mul3A_554 = vector.broadcast %mul3A_553 : f32 to vector<16xf32>
        %mul3A_555 = arith.mulf %add3A_552, %mul3A_554 : vector<16xf32>
        tpu.vector_store_idx %arg8[%add3A_26, %broadcast_in_dim3A_545], %mul3A_555 : memref<256x64xf32, #tpu.memory_space<vmem>>[vector<16xi32>, vector<16xi32>], vector<16xf32>,
        %broadcast_in_dim3A_556 = arith.constant 43 : i32
        %broadcast_in_dim3A_557 = vector.broadcast %broadcast_in_dim3A_556 : i32 to vector<16xi32>
        %gather3A_558 = tpu.vector_load_idx %arg7[%get3A_29, %broadcast_in_dim3A_557] : memref<1000x64xf32, #tpu.memory_space<vmem>>[vector<16xi32>, vector<16xi32>], vector<16xf32>,
        %gather3A_559 = tpu.vector_load_idx %arg7[%get3A_33, %broadcast_in_dim3A_557] : memref<1000x64xf32, #tpu.memory_space<vmem>>[vector<16xi32>, vector<16xi32>], vector<16xf32>,
        %add3A_560 = arith.addf %gather3A_558, %gather3A_559 : vector<16xf32>
        %gather3A_561 = tpu.vector_load_idx %arg7[%get3A_37, %broadcast_in_dim3A_557] : memref<1000x64xf32, #tpu.memory_space<vmem>>[vector<16xi32>, vector<16xi32>], vector<16xf32>,
        %add3A_562 = arith.addf %add3A_560, %gather3A_561 : vector<16xf32>
        %gather3A_563 = tpu.vector_load_idx %arg7[%get3A_41, %broadcast_in_dim3A_557] : memref<1000x64xf32, #tpu.memory_space<vmem>>[vector<16xi32>, vector<16xi32>], vector<16xf32>,
        %add3A_564 = arith.addf %add3A_562, %gather3A_563 : vector<16xf32>
        %mul3A_565 = arith.constant 2.500000e-01 : f32
        %mul3A_566 = vector.broadcast %mul3A_565 : f32 to vector<16xf32>
        %mul3A_567 = arith.mulf %add3A_564, %mul3A_566 : vector<16xf32>
        tpu.vector_store_idx %arg8[%add3A_26, %broadcast_in_dim3A_557], %mul3A_567 : memref<256x64xf32, #tpu.memory_space<vmem>>[vector<16xi32>, vector<16xi32>], vector<16xf32>,
        %broadcast_in_dim3A_568 = arith.constant 44 : i32
        %broadcast_in_dim3A_569 = vector.broadcast %broadcast_in_dim3A_568 : i32 to vector<16xi32>
        %gather3A_570 = tpu.vector_load_idx %arg7[%get3A_29, %broadcast_in_dim3A_569] : memref<1000x64xf32, #tpu.memory_space<vmem>>[vector<16xi32>, vector<16xi32>], vector<16xf32>,
        %gather3A_571 = tpu.vector_load_idx %arg7[%get3A_33, %broadcast_in_dim3A_569] : memref<1000x64xf32, #tpu.memory_space<vmem>>[vector<16xi32>, vector<16xi32>], vector<16xf32>,
        %add3A_572 = arith.addf %gather3A_570, %gather3A_571 : vector<16xf32>
        %gather3A_573 = tpu.vector_load_idx %arg7[%get3A_37, %broadcast_in_dim3A_569] : memref<1000x64xf32, #tpu.memory_space<vmem>>[vector<16xi32>, vector<16xi32>], vector<16xf32>,
        %add3A_574 = arith.addf %add3A_572, %gather3A_573 : vector<16xf32>
        %gather3A_575 = tpu.vector_load_idx %arg7[%get3A_41, %broadcast_in_dim3A_569] : memref<1000x64xf32, #tpu.memory_space<vmem>>[vector<16xi32>, vector<16xi32>], vector<16xf32>,
        %add3A_576 = arith.addf %add3A_574, %gather3A_575 : vector<16xf32>
        %mul3A_577 = arith.constant 2.500000e-01 : f32
        %mul3A_578 = vector.broadcast %mul3A_577 : f32 to vector<16xf32>
        %mul3A_579 = arith.mulf %add3A_576, %mul3A_578 : vector<16xf32>
        tpu.vector_store_idx %arg8[%add3A_26, %broadcast_in_dim3A_569], %mul3A_579 : memref<256x64xf32, #tpu.memory_space<vmem>>[vector<16xi32>, vector<16xi32>], vector<16xf32>,
        %broadcast_in_dim3A_580 = arith.constant 45 : i32
        %broadcast_in_dim3A_581 = vector.broadcast %broadcast_in_dim3A_580 : i32 to vector<16xi32>
        %gather3A_582 = tpu.vector_load_idx %arg7[%get3A_29, %broadcast_in_dim3A_581] : memref<1000x64xf32, #tpu.memory_space<vmem>>[vector<16xi32>, vector<16xi32>], vector<16xf32>,
        %gather3A_583 = tpu.vector_load_idx %arg7[%get3A_33, %broadcast_in_dim3A_581] : memref<1000x64xf32, #tpu.memory_space<vmem>>[vector<16xi32>, vector<16xi32>], vector<16xf32>,
        %add3A_584 = arith.addf %gather3A_582, %gather3A_583 : vector<16xf32>
        %gather3A_585 = tpu.vector_load_idx %arg7[%get3A_37, %broadcast_in_dim3A_581] : memref<1000x64xf32, #tpu.memory_space<vmem>>[vector<16xi32>, vector<16xi32>], vector<16xf32>,
        %add3A_586 = arith.addf %add3A_584, %gather3A_585 : vector<16xf32>
        %gather3A_587 = tpu.vector_load_idx %arg7[%get3A_41, %broadcast_in_dim3A_581] : memref<1000x64xf32, #tpu.memory_space<vmem>>[vector<16xi32>, vector<16xi32>], vector<16xf32>,
        %add3A_588 = arith.addf %add3A_586, %gather3A_587 : vector<16xf32>
        %mul3A_589 = arith.constant 2.500000e-01 : f32
        %mul3A_590 = vector.broadcast %mul3A_589 : f32 to vector<16xf32>
        %mul3A_591 = arith.mulf %add3A_588, %mul3A_590 : vector<16xf32>
        tpu.vector_store_idx %arg8[%add3A_26, %broadcast_in_dim3A_581], %mul3A_591 : memref<256x64xf32, #tpu.memory_space<vmem>>[vector<16xi32>, vector<16xi32>], vector<16xf32>,
        %broadcast_in_dim3A_592 = arith.constant 46 : i32
        %broadcast_in_dim3A_593 = vector.broadcast %broadcast_in_dim3A_592 : i32 to vector<16xi32>
        %gather3A_594 = tpu.vector_load_idx %arg7[%get3A_29, %broadcast_in_dim3A_593] : memref<1000x64xf32, #tpu.memory_space<vmem>>[vector<16xi32>, vector<16xi32>], vector<16xf32>,
        %gather3A_595 = tpu.vector_load_idx %arg7[%get3A_33, %broadcast_in_dim3A_593] : memref<1000x64xf32, #tpu.memory_space<vmem>>[vector<16xi32>, vector<16xi32>], vector<16xf32>,
        %add3A_596 = arith.addf %gather3A_594, %gather3A_595 : vector<16xf32>
        %gather3A_597 = tpu.vector_load_idx %arg7[%get3A_37, %broadcast_in_dim3A_593] : memref<1000x64xf32, #tpu.memory_space<vmem>>[vector<16xi32>, vector<16xi32>], vector<16xf32>,
        %add3A_598 = arith.addf %add3A_596, %gather3A_597 : vector<16xf32>
        %gather3A_599 = tpu.vector_load_idx %arg7[%get3A_41, %broadcast_in_dim3A_593] : memref<1000x64xf32, #tpu.memory_space<vmem>>[vector<16xi32>, vector<16xi32>], vector<16xf32>,
        %add3A_600 = arith.addf %add3A_598, %gather3A_599 : vector<16xf32>
        %mul3A_601 = arith.constant 2.500000e-01 : f32
        %mul3A_602 = vector.broadcast %mul3A_601 : f32 to vector<16xf32>
        %mul3A_603 = arith.mulf %add3A_600, %mul3A_602 : vector<16xf32>
        tpu.vector_store_idx %arg8[%add3A_26, %broadcast_in_dim3A_593], %mul3A_603 : memref<256x64xf32, #tpu.memory_space<vmem>>[vector<16xi32>, vector<16xi32>], vector<16xf32>,
        %broadcast_in_dim3A_604 = arith.constant 47 : i32
        %broadcast_in_dim3A_605 = vector.broadcast %broadcast_in_dim3A_604 : i32 to vector<16xi32>
        %gather3A_606 = tpu.vector_load_idx %arg7[%get3A_29, %broadcast_in_dim3A_605] : memref<1000x64xf32, #tpu.memory_space<vmem>>[vector<16xi32>, vector<16xi32>], vector<16xf32>,
        %gather3A_607 = tpu.vector_load_idx %arg7[%get3A_33, %broadcast_in_dim3A_605] : memref<1000x64xf32, #tpu.memory_space<vmem>>[vector<16xi32>, vector<16xi32>], vector<16xf32>,
        %add3A_608 = arith.addf %gather3A_606, %gather3A_607 : vector<16xf32>
        %gather3A_609 = tpu.vector_load_idx %arg7[%get3A_37, %broadcast_in_dim3A_605] : memref<1000x64xf32, #tpu.memory_space<vmem>>[vector<16xi32>, vector<16xi32>], vector<16xf32>,
        %add3A_610 = arith.addf %add3A_608, %gather3A_609 : vector<16xf32>
        %gather3A_611 = tpu.vector_load_idx %arg7[%get3A_41, %broadcast_in_dim3A_605] : memref<1000x64xf32, #tpu.memory_space<vmem>>[vector<16xi32>, vector<16xi32>], vector<16xf32>,
        %add3A_612 = arith.addf %add3A_610, %gather3A_611 : vector<16xf32>
        %mul3A_613 = arith.constant 2.500000e-01 : f32
        %mul3A_614 = vector.broadcast %mul3A_613 : f32 to vector<16xf32>
        %mul3A_615 = arith.mulf %add3A_612, %mul3A_614 : vector<16xf32>
        tpu.vector_store_idx %arg8[%add3A_26, %broadcast_in_dim3A_605], %mul3A_615 : memref<256x64xf32, #tpu.memory_space<vmem>>[vector<16xi32>, vector<16xi32>], vector<16xf32>,
        %broadcast_in_dim3A_616 = arith.constant 48 : i32
        %broadcast_in_dim3A_617 = vector.broadcast %broadcast_in_dim3A_616 : i32 to vector<16xi32>
        %gather3A_618 = tpu.vector_load_idx %arg7[%get3A_29, %broadcast_in_dim3A_617] : memref<1000x64xf32, #tpu.memory_space<vmem>>[vector<16xi32>, vector<16xi32>], vector<16xf32>,
        %gather3A_619 = tpu.vector_load_idx %arg7[%get3A_33, %broadcast_in_dim3A_617] : memref<1000x64xf32, #tpu.memory_space<vmem>>[vector<16xi32>, vector<16xi32>], vector<16xf32>,
        %add3A_620 = arith.addf %gather3A_618, %gather3A_619 : vector<16xf32>
        %gather3A_621 = tpu.vector_load_idx %arg7[%get3A_37, %broadcast_in_dim3A_617] : memref<1000x64xf32, #tpu.memory_space<vmem>>[vector<16xi32>, vector<16xi32>], vector<16xf32>,
        %add3A_622 = arith.addf %add3A_620, %gather3A_621 : vector<16xf32>
        %gather3A_623 = tpu.vector_load_idx %arg7[%get3A_41, %broadcast_in_dim3A_617] : memref<1000x64xf32, #tpu.memory_space<vmem>>[vector<16xi32>, vector<16xi32>], vector<16xf32>,
        %add3A_624 = arith.addf %add3A_622, %gather3A_623 : vector<16xf32>
        %mul3A_625 = arith.constant 2.500000e-01 : f32
        %mul3A_626 = vector.broadcast %mul3A_625 : f32 to vector<16xf32>
        %mul3A_627 = arith.mulf %add3A_624, %mul3A_626 : vector<16xf32>
        tpu.vector_store_idx %arg8[%add3A_26, %broadcast_in_dim3A_617], %mul3A_627 : memref<256x64xf32, #tpu.memory_space<vmem>>[vector<16xi32>, vector<16xi32>], vector<16xf32>,
        %broadcast_in_dim3A_628 = arith.constant 49 : i32
        %broadcast_in_dim3A_629 = vector.broadcast %broadcast_in_dim3A_628 : i32 to vector<16xi32>
        %gather3A_630 = tpu.vector_load_idx %arg7[%get3A_29, %broadcast_in_dim3A_629] : memref<1000x64xf32, #tpu.memory_space<vmem>>[vector<16xi32>, vector<16xi32>], vector<16xf32>,
        %gather3A_631 = tpu.vector_load_idx %arg7[%get3A_33, %broadcast_in_dim3A_629] : memref<1000x64xf32, #tpu.memory_space<vmem>>[vector<16xi32>, vector<16xi32>], vector<16xf32>,
        %add3A_632 = arith.addf %gather3A_630, %gather3A_631 : vector<16xf32>
        %gather3A_633 = tpu.vector_load_idx %arg7[%get3A_37, %broadcast_in_dim3A_629] : memref<1000x64xf32, #tpu.memory_space<vmem>>[vector<16xi32>, vector<16xi32>], vector<16xf32>,
        %add3A_634 = arith.addf %add3A_632, %gather3A_633 : vector<16xf32>
        %gather3A_635 = tpu.vector_load_idx %arg7[%get3A_41, %broadcast_in_dim3A_629] : memref<1000x64xf32, #tpu.memory_space<vmem>>[vector<16xi32>, vector<16xi32>], vector<16xf32>,
        %add3A_636 = arith.addf %add3A_634, %gather3A_635 : vector<16xf32>
        %mul3A_637 = arith.constant 2.500000e-01 : f32
        %mul3A_638 = vector.broadcast %mul3A_637 : f32 to vector<16xf32>
        %mul3A_639 = arith.mulf %add3A_636, %mul3A_638 : vector<16xf32>
        tpu.vector_store_idx %arg8[%add3A_26, %broadcast_in_dim3A_629], %mul3A_639 : memref<256x64xf32, #tpu.memory_space<vmem>>[vector<16xi32>, vector<16xi32>], vector<16xf32>,
        %broadcast_in_dim3A_640 = arith.constant 50 : i32
        %broadcast_in_dim3A_641 = vector.broadcast %broadcast_in_dim3A_640 : i32 to vector<16xi32>
        %gather3A_642 = tpu.vector_load_idx %arg7[%get3A_29, %broadcast_in_dim3A_641] : memref<1000x64xf32, #tpu.memory_space<vmem>>[vector<16xi32>, vector<16xi32>], vector<16xf32>,
        %gather3A_643 = tpu.vector_load_idx %arg7[%get3A_33, %broadcast_in_dim3A_641] : memref<1000x64xf32, #tpu.memory_space<vmem>>[vector<16xi32>, vector<16xi32>], vector<16xf32>,
        %add3A_644 = arith.addf %gather3A_642, %gather3A_643 : vector<16xf32>
        %gather3A_645 = tpu.vector_load_idx %arg7[%get3A_37, %broadcast_in_dim3A_641] : memref<1000x64xf32, #tpu.memory_space<vmem>>[vector<16xi32>, vector<16xi32>], vector<16xf32>,
        %add3A_646 = arith.addf %add3A_644, %gather3A_645 : vector<16xf32>
        %gather3A_647 = tpu.vector_load_idx %arg7[%get3A_41, %broadcast_in_dim3A_641] : memref<1000x64xf32, #tpu.memory_space<vmem>>[vector<16xi32>, vector<16xi32>], vector<16xf32>,
        %add3A_648 = arith.addf %add3A_646, %gather3A_647 : vector<16xf32>
        %mul3A_649 = arith.constant 2.500000e-01 : f32
        %mul3A_650 = vector.broadcast %mul3A_649 : f32 to vector<16xf32>
        %mul3A_651 = arith.mulf %add3A_648, %mul3A_650 : vector<16xf32>
        tpu.vector_store_idx %arg8[%add3A_26, %broadcast_in_dim3A_641], %mul3A_651 : memref<256x64xf32, #tpu.memory_space<vmem>>[vector<16xi32>, vector<16xi32>], vector<16xf32>,
        %broadcast_in_dim3A_652 = arith.constant 51 : i32
        %broadcast_in_dim3A_653 = vector.broadcast %broadcast_in_dim3A_652 : i32 to vector<16xi32>
        %gather3A_654 = tpu.vector_load_idx %arg7[%get3A_29, %broadcast_in_dim3A_653] : memref<1000x64xf32, #tpu.memory_space<vmem>>[vector<16xi32>, vector<16xi32>], vector<16xf32>,
        %gather3A_655 = tpu.vector_load_idx %arg7[%get3A_33, %broadcast_in_dim3A_653] : memref<1000x64xf32, #tpu.memory_space<vmem>>[vector<16xi32>, vector<16xi32>], vector<16xf32>,
        %add3A_656 = arith.addf %gather3A_654, %gather3A_655 : vector<16xf32>
        %gather3A_657 = tpu.vector_load_idx %arg7[%get3A_37, %broadcast_in_dim3A_653] : memref<1000x64xf32, #tpu.memory_space<vmem>>[vector<16xi32>, vector<16xi32>], vector<16xf32>,
        %add3A_658 = arith.addf %add3A_656, %gather3A_657 : vector<16xf32>
        %gather3A_659 = tpu.vector_load_idx %arg7[%get3A_41, %broadcast_in_dim3A_653] : memref<1000x64xf32, #tpu.memory_space<vmem>>[vector<16xi32>, vector<16xi32>], vector<16xf32>,
        %add3A_660 = arith.addf %add3A_658, %gather3A_659 : vector<16xf32>
        %mul3A_661 = arith.constant 2.500000e-01 : f32
        %mul3A_662 = vector.broadcast %mul3A_661 : f32 to vector<16xf32>
        %mul3A_663 = arith.mulf %add3A_660, %mul3A_662 : vector<16xf32>
        tpu.vector_store_idx %arg8[%add3A_26, %broadcast_in_dim3A_653], %mul3A_663 : memref<256x64xf32, #tpu.memory_space<vmem>>[vector<16xi32>, vector<16xi32>], vector<16xf32>,
        %broadcast_in_dim3A_664 = arith.constant 52 : i32
        %broadcast_in_dim3A_665 = vector.broadcast %broadcast_in_dim3A_664 : i32 to vector<16xi32>
        %gather3A_666 = tpu.vector_load_idx %arg7[%get3A_29, %broadcast_in_dim3A_665] : memref<1000x64xf32, #tpu.memory_space<vmem>>[vector<16xi32>, vector<16xi32>], vector<16xf32>,
        %gather3A_667 = tpu.vector_load_idx %arg7[%get3A_33, %broadcast_in_dim3A_665] : memref<1000x64xf32, #tpu.memory_space<vmem>>[vector<16xi32>, vector<16xi32>], vector<16xf32>,
        %add3A_668 = arith.addf %gather3A_666, %gather3A_667 : vector<16xf32>
        %gather3A_669 = tpu.vector_load_idx %arg7[%get3A_37, %broadcast_in_dim3A_665] : memref<1000x64xf32, #tpu.memory_space<vmem>>[vector<16xi32>, vector<16xi32>], vector<16xf32>,
        %add3A_670 = arith.addf %add3A_668, %gather3A_669 : vector<16xf32>
        %gather3A_671 = tpu.vector_load_idx %arg7[%get3A_41, %broadcast_in_dim3A_665] : memref<1000x64xf32, #tpu.memory_space<vmem>>[vector<16xi32>, vector<16xi32>], vector<16xf32>,
        %add3A_672 = arith.addf %add3A_670, %gather3A_671 : vector<16xf32>
        %mul3A_673 = arith.constant 2.500000e-01 : f32
        %mul3A_674 = vector.broadcast %mul3A_673 : f32 to vector<16xf32>
        %mul3A_675 = arith.mulf %add3A_672, %mul3A_674 : vector<16xf32>
        tpu.vector_store_idx %arg8[%add3A_26, %broadcast_in_dim3A_665], %mul3A_675 : memref<256x64xf32, #tpu.memory_space<vmem>>[vector<16xi32>, vector<16xi32>], vector<16xf32>,
        %broadcast_in_dim3A_676 = arith.constant 53 : i32
        %broadcast_in_dim3A_677 = vector.broadcast %broadcast_in_dim3A_676 : i32 to vector<16xi32>
        %gather3A_678 = tpu.vector_load_idx %arg7[%get3A_29, %broadcast_in_dim3A_677] : memref<1000x64xf32, #tpu.memory_space<vmem>>[vector<16xi32>, vector<16xi32>], vector<16xf32>,
        %gather3A_679 = tpu.vector_load_idx %arg7[%get3A_33, %broadcast_in_dim3A_677] : memref<1000x64xf32, #tpu.memory_space<vmem>>[vector<16xi32>, vector<16xi32>], vector<16xf32>,
        %add3A_680 = arith.addf %gather3A_678, %gather3A_679 : vector<16xf32>
        %gather3A_681 = tpu.vector_load_idx %arg7[%get3A_37, %broadcast_in_dim3A_677] : memref<1000x64xf32, #tpu.memory_space<vmem>>[vector<16xi32>, vector<16xi32>], vector<16xf32>,
        %add3A_682 = arith.addf %add3A_680, %gather3A_681 : vector<16xf32>
        %gather3A_683 = tpu.vector_load_idx %arg7[%get3A_41, %broadcast_in_dim3A_677] : memref<1000x64xf32, #tpu.memory_space<vmem>>[vector<16xi32>, vector<16xi32>], vector<16xf32>,
        %add3A_684 = arith.addf %add3A_682, %gather3A_683 : vector<16xf32>
        %mul3A_685 = arith.constant 2.500000e-01 : f32
        %mul3A_686 = vector.broadcast %mul3A_685 : f32 to vector<16xf32>
        %mul3A_687 = arith.mulf %add3A_684, %mul3A_686 : vector<16xf32>
        tpu.vector_store_idx %arg8[%add3A_26, %broadcast_in_dim3A_677], %mul3A_687 : memref<256x64xf32, #tpu.memory_space<vmem>>[vector<16xi32>, vector<16xi32>], vector<16xf32>,
        %broadcast_in_dim3A_688 = arith.constant 54 : i32
        %broadcast_in_dim3A_689 = vector.broadcast %broadcast_in_dim3A_688 : i32 to vector<16xi32>
        %gather3A_690 = tpu.vector_load_idx %arg7[%get3A_29, %broadcast_in_dim3A_689] : memref<1000x64xf32, #tpu.memory_space<vmem>>[vector<16xi32>, vector<16xi32>], vector<16xf32>,
        %gather3A_691 = tpu.vector_load_idx %arg7[%get3A_33, %broadcast_in_dim3A_689] : memref<1000x64xf32, #tpu.memory_space<vmem>>[vector<16xi32>, vector<16xi32>], vector<16xf32>,
        %add3A_692 = arith.addf %gather3A_690, %gather3A_691 : vector<16xf32>
        %gather3A_693 = tpu.vector_load_idx %arg7[%get3A_37, %broadcast_in_dim3A_689] : memref<1000x64xf32, #tpu.memory_space<vmem>>[vector<16xi32>, vector<16xi32>], vector<16xf32>,
        %add3A_694 = arith.addf %add3A_692, %gather3A_693 : vector<16xf32>
        %gather3A_695 = tpu.vector_load_idx %arg7[%get3A_41, %broadcast_in_dim3A_689] : memref<1000x64xf32, #tpu.memory_space<vmem>>[vector<16xi32>, vector<16xi32>], vector<16xf32>,
        %add3A_696 = arith.addf %add3A_694, %gather3A_695 : vector<16xf32>
        %mul3A_697 = arith.constant 2.500000e-01 : f32
        %mul3A_698 = vector.broadcast %mul3A_697 : f32 to vector<16xf32>
        %mul3A_699 = arith.mulf %add3A_696, %mul3A_698 : vector<16xf32>
        tpu.vector_store_idx %arg8[%add3A_26, %broadcast_in_dim3A_689], %mul3A_699 : memref<256x64xf32, #tpu.memory_space<vmem>>[vector<16xi32>, vector<16xi32>], vector<16xf32>,
        %broadcast_in_dim3A_700 = arith.constant 55 : i32
        %broadcast_in_dim3A_701 = vector.broadcast %broadcast_in_dim3A_700 : i32 to vector<16xi32>
        %gather3A_702 = tpu.vector_load_idx %arg7[%get3A_29, %broadcast_in_dim3A_701] : memref<1000x64xf32, #tpu.memory_space<vmem>>[vector<16xi32>, vector<16xi32>], vector<16xf32>,
        %gather3A_703 = tpu.vector_load_idx %arg7[%get3A_33, %broadcast_in_dim3A_701] : memref<1000x64xf32, #tpu.memory_space<vmem>>[vector<16xi32>, vector<16xi32>], vector<16xf32>,
        %add3A_704 = arith.addf %gather3A_702, %gather3A_703 : vector<16xf32>
        %gather3A_705 = tpu.vector_load_idx %arg7[%get3A_37, %broadcast_in_dim3A_701] : memref<1000x64xf32, #tpu.memory_space<vmem>>[vector<16xi32>, vector<16xi32>], vector<16xf32>,
        %add3A_706 = arith.addf %add3A_704, %gather3A_705 : vector<16xf32>
        %gather3A_707 = tpu.vector_load_idx %arg7[%get3A_41, %broadcast_in_dim3A_701] : memref<1000x64xf32, #tpu.memory_space<vmem>>[vector<16xi32>, vector<16xi32>], vector<16xf32>,
        %add3A_708 = arith.addf %add3A_706, %gather3A_707 : vector<16xf32>
        %mul3A_709 = arith.constant 2.500000e-01 : f32
        %mul3A_710 = vector.broadcast %mul3A_709 : f32 to vector<16xf32>
        %mul3A_711 = arith.mulf %add3A_708, %mul3A_710 : vector<16xf32>
        tpu.vector_store_idx %arg8[%add3A_26, %broadcast_in_dim3A_701], %mul3A_711 : memref<256x64xf32, #tpu.memory_space<vmem>>[vector<16xi32>, vector<16xi32>], vector<16xf32>,
        %broadcast_in_dim3A_712 = arith.constant 56 : i32
        %broadcast_in_dim3A_713 = vector.broadcast %broadcast_in_dim3A_712 : i32 to vector<16xi32>
        %gather3A_714 = tpu.vector_load_idx %arg7[%get3A_29, %broadcast_in_dim3A_713] : memref<1000x64xf32, #tpu.memory_space<vmem>>[vector<16xi32>, vector<16xi32>], vector<16xf32>,
        %gather3A_715 = tpu.vector_load_idx %arg7[%get3A_33, %broadcast_in_dim3A_713] : memref<1000x64xf32, #tpu.memory_space<vmem>>[vector<16xi32>, vector<16xi32>], vector<16xf32>,
        %add3A_716 = arith.addf %gather3A_714, %gather3A_715 : vector<16xf32>
        %gather3A_717 = tpu.vector_load_idx %arg7[%get3A_37, %broadcast_in_dim3A_713] : memref<1000x64xf32, #tpu.memory_space<vmem>>[vector<16xi32>, vector<16xi32>], vector<16xf32>,
        %add3A_718 = arith.addf %add3A_716, %gather3A_717 : vector<16xf32>
        %gather3A_719 = tpu.vector_load_idx %arg7[%get3A_41, %broadcast_in_dim3A_713] : memref<1000x64xf32, #tpu.memory_space<vmem>>[vector<16xi32>, vector<16xi32>], vector<16xf32>,
        %add3A_720 = arith.addf %add3A_718, %gather3A_719 : vector<16xf32>
        %mul3A_721 = arith.constant 2.500000e-01 : f32
        %mul3A_722 = vector.broadcast %mul3A_721 : f32 to vector<16xf32>
        %mul3A_723 = arith.mulf %add3A_720, %mul3A_722 : vector<16xf32>
        tpu.vector_store_idx %arg8[%add3A_26, %broadcast_in_dim3A_713], %mul3A_723 : memref<256x64xf32, #tpu.memory_space<vmem>>[vector<16xi32>, vector<16xi32>], vector<16xf32>,
        %broadcast_in_dim3A_724 = arith.constant 57 : i32
        %broadcast_in_dim3A_725 = vector.broadcast %broadcast_in_dim3A_724 : i32 to vector<16xi32>
        %gather3A_726 = tpu.vector_load_idx %arg7[%get3A_29, %broadcast_in_dim3A_725] : memref<1000x64xf32, #tpu.memory_space<vmem>>[vector<16xi32>, vector<16xi32>], vector<16xf32>,
        %gather3A_727 = tpu.vector_load_idx %arg7[%get3A_33, %broadcast_in_dim3A_725] : memref<1000x64xf32, #tpu.memory_space<vmem>>[vector<16xi32>, vector<16xi32>], vector<16xf32>,
        %add3A_728 = arith.addf %gather3A_726, %gather3A_727 : vector<16xf32>
        %gather3A_729 = tpu.vector_load_idx %arg7[%get3A_37, %broadcast_in_dim3A_725] : memref<1000x64xf32, #tpu.memory_space<vmem>>[vector<16xi32>, vector<16xi32>], vector<16xf32>,
        %add3A_730 = arith.addf %add3A_728, %gather3A_729 : vector<16xf32>
        %gather3A_731 = tpu.vector_load_idx %arg7[%get3A_41, %broadcast_in_dim3A_725] : memref<1000x64xf32, #tpu.memory_space<vmem>>[vector<16xi32>, vector<16xi32>], vector<16xf32>,
        %add3A_732 = arith.addf %add3A_730, %gather3A_731 : vector<16xf32>
        %mul3A_733 = arith.constant 2.500000e-01 : f32
        %mul3A_734 = vector.broadcast %mul3A_733 : f32 to vector<16xf32>
        %mul3A_735 = arith.mulf %add3A_732, %mul3A_734 : vector<16xf32>
        tpu.vector_store_idx %arg8[%add3A_26, %broadcast_in_dim3A_725], %mul3A_735 : memref<256x64xf32, #tpu.memory_space<vmem>>[vector<16xi32>, vector<16xi32>], vector<16xf32>,
        %broadcast_in_dim3A_736 = arith.constant 58 : i32
        %broadcast_in_dim3A_737 = vector.broadcast %broadcast_in_dim3A_736 : i32 to vector<16xi32>
        %gather3A_738 = tpu.vector_load_idx %arg7[%get3A_29, %broadcast_in_dim3A_737] : memref<1000x64xf32, #tpu.memory_space<vmem>>[vector<16xi32>, vector<16xi32>], vector<16xf32>,
        %gather3A_739 = tpu.vector_load_idx %arg7[%get3A_33, %broadcast_in_dim3A_737] : memref<1000x64xf32, #tpu.memory_space<vmem>>[vector<16xi32>, vector<16xi32>], vector<16xf32>,
        %add3A_740 = arith.addf %gather3A_738, %gather3A_739 : vector<16xf32>
        %gather3A_741 = tpu.vector_load_idx %arg7[%get3A_37, %broadcast_in_dim3A_737] : memref<1000x64xf32, #tpu.memory_space<vmem>>[vector<16xi32>, vector<16xi32>], vector<16xf32>,
        %add3A_742 = arith.addf %add3A_740, %gather3A_741 : vector<16xf32>
        %gather3A_743 = tpu.vector_load_idx %arg7[%get3A_41, %broadcast_in_dim3A_737] : memref<1000x64xf32, #tpu.memory_space<vmem>>[vector<16xi32>, vector<16xi32>], vector<16xf32>,
        %add3A_744 = arith.addf %add3A_742, %gather3A_743 : vector<16xf32>
        %mul3A_745 = arith.constant 2.500000e-01 : f32
        %mul3A_746 = vector.broadcast %mul3A_745 : f32 to vector<16xf32>
        %mul3A_747 = arith.mulf %add3A_744, %mul3A_746 : vector<16xf32>
        tpu.vector_store_idx %arg8[%add3A_26, %broadcast_in_dim3A_737], %mul3A_747 : memref<256x64xf32, #tpu.memory_space<vmem>>[vector<16xi32>, vector<16xi32>], vector<16xf32>,
        %broadcast_in_dim3A_748 = arith.constant 59 : i32
        %broadcast_in_dim3A_749 = vector.broadcast %broadcast_in_dim3A_748 : i32 to vector<16xi32>
        %gather3A_750 = tpu.vector_load_idx %arg7[%get3A_29, %broadcast_in_dim3A_749] : memref<1000x64xf32, #tpu.memory_space<vmem>>[vector<16xi32>, vector<16xi32>], vector<16xf32>,
        %gather3A_751 = tpu.vector_load_idx %arg7[%get3A_33, %broadcast_in_dim3A_749] : memref<1000x64xf32, #tpu.memory_space<vmem>>[vector<16xi32>, vector<16xi32>], vector<16xf32>,
        %add3A_752 = arith.addf %gather3A_750, %gather3A_751 : vector<16xf32>
        %gather3A_753 = tpu.vector_load_idx %arg7[%get3A_37, %broadcast_in_dim3A_749] : memref<1000x64xf32, #tpu.memory_space<vmem>>[vector<16xi32>, vector<16xi32>], vector<16xf32>,
        %add3A_754 = arith.addf %add3A_752, %gather3A_753 : vector<16xf32>
        %gather3A_755 = tpu.vector_load_idx %arg7[%get3A_41, %broadcast_in_dim3A_749] : memref<1000x64xf32, #tpu.memory_space<vmem>>[vector<16xi32>, vector<16xi32>], vector<16xf32>,
        %add3A_756 = arith.addf %add3A_754, %gather3A_755 : vector<16xf32>
        %mul3A_757 = arith.constant 2.500000e-01 : f32
        %mul3A_758 = vector.broadcast %mul3A_757 : f32 to vector<16xf32>
        %mul3A_759 = arith.mulf %add3A_756, %mul3A_758 : vector<16xf32>
        tpu.vector_store_idx %arg8[%add3A_26, %broadcast_in_dim3A_749], %mul3A_759 : memref<256x64xf32, #tpu.memory_space<vmem>>[vector<16xi32>, vector<16xi32>], vector<16xf32>,
        %broadcast_in_dim3A_760 = arith.constant 60 : i32
        %broadcast_in_dim3A_761 = vector.broadcast %broadcast_in_dim3A_760 : i32 to vector<16xi32>
        %gather3A_762 = tpu.vector_load_idx %arg7[%get3A_29, %broadcast_in_dim3A_761] : memref<1000x64xf32, #tpu.memory_space<vmem>>[vector<16xi32>, vector<16xi32>], vector<16xf32>,
        %gather3A_763 = tpu.vector_load_idx %arg7[%get3A_33, %broadcast_in_dim3A_761] : memref<1000x64xf32, #tpu.memory_space<vmem>>[vector<16xi32>, vector<16xi32>], vector<16xf32>,
        %add3A_764 = arith.addf %gather3A_762, %gather3A_763 : vector<16xf32>
        %gather3A_765 = tpu.vector_load_idx %arg7[%get3A_37, %broadcast_in_dim3A_761] : memref<1000x64xf32, #tpu.memory_space<vmem>>[vector<16xi32>, vector<16xi32>], vector<16xf32>,
        %add3A_766 = arith.addf %add3A_764, %gather3A_765 : vector<16xf32>
        %gather3A_767 = tpu.vector_load_idx %arg7[%get3A_41, %broadcast_in_dim3A_761] : memref<1000x64xf32, #tpu.memory_space<vmem>>[vector<16xi32>, vector<16xi32>], vector<16xf32>,
        %add3A_768 = arith.addf %add3A_766, %gather3A_767 : vector<16xf32>
        %mul3A_769 = arith.constant 2.500000e-01 : f32
        %mul3A_770 = vector.broadcast %mul3A_769 : f32 to vector<16xf32>
        %mul3A_771 = arith.mulf %add3A_768, %mul3A_770 : vector<16xf32>
        tpu.vector_store_idx %arg8[%add3A_26, %broadcast_in_dim3A_761], %mul3A_771 : memref<256x64xf32, #tpu.memory_space<vmem>>[vector<16xi32>, vector<16xi32>], vector<16xf32>,
        %broadcast_in_dim3A_772 = arith.constant 61 : i32
        %broadcast_in_dim3A_773 = vector.broadcast %broadcast_in_dim3A_772 : i32 to vector<16xi32>
        %gather3A_774 = tpu.vector_load_idx %arg7[%get3A_29, %broadcast_in_dim3A_773] : memref<1000x64xf32, #tpu.memory_space<vmem>>[vector<16xi32>, vector<16xi32>], vector<16xf32>,
        %gather3A_775 = tpu.vector_load_idx %arg7[%get3A_33, %broadcast_in_dim3A_773] : memref<1000x64xf32, #tpu.memory_space<vmem>>[vector<16xi32>, vector<16xi32>], vector<16xf32>,
        %add3A_776 = arith.addf %gather3A_774, %gather3A_775 : vector<16xf32>
        %gather3A_777 = tpu.vector_load_idx %arg7[%get3A_37, %broadcast_in_dim3A_773] : memref<1000x64xf32, #tpu.memory_space<vmem>>[vector<16xi32>, vector<16xi32>], vector<16xf32>,
        %add3A_778 = arith.addf %add3A_776, %gather3A_777 : vector<16xf32>
        %gather3A_779 = tpu.vector_load_idx %arg7[%get3A_41, %broadcast_in_dim3A_773] : memref<1000x64xf32, #tpu.memory_space<vmem>>[vector<16xi32>, vector<16xi32>], vector<16xf32>,
        %add3A_780 = arith.addf %add3A_778, %gather3A_779 : vector<16xf32>
        %mul3A_781 = arith.constant 2.500000e-01 : f32
        %mul3A_782 = vector.broadcast %mul3A_781 : f32 to vector<16xf32>
        %mul3A_783 = arith.mulf %add3A_780, %mul3A_782 : vector<16xf32>
        tpu.vector_store_idx %arg8[%add3A_26, %broadcast_in_dim3A_773], %mul3A_783 : memref<256x64xf32, #tpu.memory_space<vmem>>[vector<16xi32>, vector<16xi32>], vector<16xf32>,
        %broadcast_in_dim3A_784 = arith.constant 62 : i32
        %broadcast_in_dim3A_785 = vector.broadcast %broadcast_in_dim3A_784 : i32 to vector<16xi32>
        %gather3A_786 = tpu.vector_load_idx %arg7[%get3A_29, %broadcast_in_dim3A_785] : memref<1000x64xf32, #tpu.memory_space<vmem>>[vector<16xi32>, vector<16xi32>], vector<16xf32>,
        %gather3A_787 = tpu.vector_load_idx %arg7[%get3A_33, %broadcast_in_dim3A_785] : memref<1000x64xf32, #tpu.memory_space<vmem>>[vector<16xi32>, vector<16xi32>], vector<16xf32>,
        %add3A_788 = arith.addf %gather3A_786, %gather3A_787 : vector<16xf32>
        %gather3A_789 = tpu.vector_load_idx %arg7[%get3A_37, %broadcast_in_dim3A_785] : memref<1000x64xf32, #tpu.memory_space<vmem>>[vector<16xi32>, vector<16xi32>], vector<16xf32>,
        %add3A_790 = arith.addf %add3A_788, %gather3A_789 : vector<16xf32>
        %gather3A_791 = tpu.vector_load_idx %arg7[%get3A_41, %broadcast_in_dim3A_785] : memref<1000x64xf32, #tpu.memory_space<vmem>>[vector<16xi32>, vector<16xi32>], vector<16xf32>,
        %add3A_792 = arith.addf %add3A_790, %gather3A_791 : vector<16xf32>
        %mul3A_793 = arith.constant 2.500000e-01 : f32
        %mul3A_794 = vector.broadcast %mul3A_793 : f32 to vector<16xf32>
        %mul3A_795 = arith.mulf %add3A_792, %mul3A_794 : vector<16xf32>
        tpu.vector_store_idx %arg8[%add3A_26, %broadcast_in_dim3A_785], %mul3A_795 : memref<256x64xf32, #tpu.memory_space<vmem>>[vector<16xi32>, vector<16xi32>], vector<16xf32>,
        %broadcast_in_dim3A_796 = arith.constant 63 : i32
        %broadcast_in_dim3A_797 = vector.broadcast %broadcast_in_dim3A_796 : i32 to vector<16xi32>
        %gather3A_798 = tpu.vector_load_idx %arg7[%get3A_29, %broadcast_in_dim3A_797] : memref<1000x64xf32, #tpu.memory_space<vmem>>[vector<16xi32>, vector<16xi32>], vector<16xf32>,
        %gather3A_799 = tpu.vector_load_idx %arg7[%get3A_33, %broadcast_in_dim3A_797] : memref<1000x64xf32, #tpu.memory_space<vmem>>[vector<16xi32>, vector<16xi32>], vector<16xf32>,
        %add3A_800 = arith.addf %gather3A_798, %gather3A_799 : vector<16xf32>
        %gather3A_801 = tpu.vector_load_idx %arg7[%get3A_37, %broadcast_in_dim3A_797] : memref<1000x64xf32, #tpu.memory_space<vmem>>[vector<16xi32>, vector<16xi32>], vector<16xf32>,
        %add3A_802 = arith.addf %add3A_800, %gather3A_801 : vector<16xf32>
        %gather3A_803 = tpu.vector_load_idx %arg7[%get3A_41, %broadcast_in_dim3A_797] : memref<1000x64xf32, #tpu.memory_space<vmem>>[vector<16xi32>, vector<16xi32>], vector<16xf32>,
        %add3A_804 = arith.addf %add3A_802, %gather3A_803 : vector<16xf32>
        %mul3A_805 = arith.constant 2.500000e-01 : f32
        %mul3A_806 = vector.broadcast %mul3A_805 : f32 to vector<16xf32>
        %mul3A_807 = arith.mulf %add3A_804, %mul3A_806 : vector<16xf32>
        tpu.vector_store_idx %arg8[%add3A_26, %broadcast_in_dim3A_797], %mul3A_807 : memref<256x64xf32, #tpu.memory_space<vmem>>[vector<16xi32>, vector<16xi32>], vector<16xf32>,
      }
      %scan3A_19 = arith.constant 16 : i32
      "tpu.region"() ({
        %run_scoped3A = tpu.sem_alloc : memref<!tpu.dma_semaphore, #tpu.memory_space<semaphore_mem>>
        %dma_start3A_22 = arith.constant 0 : i32
        %dma_start3A_23 = tpu.memref_slice %arg6[%add3A_11, %dma_start3A_22] : memref<204800x128xf32, #tpu.memory_space<hbm>> -> memref<256x64xf32, #tpu.memory_space<hbm>>
        %dma_start3A_24 = arith.constant 0 : i32
        %dma_start3A_25 = tpu.memref_slice %arg6[%add3A_11, %dma_start3A_24] : memref<204800x128xf32, #tpu.memory_space<hbm>> -> memref<256x64xf32, #tpu.memory_space<hbm>>
        tpu.enqueue_dma source(%arg8 : memref<256x64xf32, #tpu.memory_space<vmem>>) target(%dma_start3A_25 : memref<256x64xf32, #tpu.memory_space<hbm>>) target_semaphore(%run_scoped3A : memref<!tpu.dma_semaphore, #tpu.memory_space<semaphore_mem>>)
        %dma_wait3A_26 = arith.constant 0 : i32
        %dma_wait3A_27 = tpu.memref_slice %arg6[%add3A_11, %dma_wait3A_26] : memref<204800x128xf32, #tpu.memory_space<hbm>> -> memref<256x64xf32, #tpu.memory_space<hbm>>
        %dma_wait3A_28 = arith.constant 0 : i32
        %dma_wait3A_29 = tpu.memref_slice %arg6[%add3A_11, %dma_wait3A_28] : memref<204800x128xf32, #tpu.memory_space<hbm>> -> memref<256x64xf32, #tpu.memory_space<hbm>>
        tpu.wait_dma2 semaphore(%run_scoped3A : memref<!tpu.dma_semaphore, #tpu.memory_space<semaphore_mem>>) src(%arg8 : memref<256x64xf32, #tpu.memory_space<vmem>>) dst(%dma_wait3A_29 : memref<256x64xf32, #tpu.memory_space<hbm>>)
        tpu.yield
      }) : () -> ()
      %dma_wait3A = arith.constant 0 : i32
      %dma_wait3A_20 = arith.constant 0 : i32
      %dma_wait3A_21 = tpu.memref_slice %arg5[%dma_wait3A, %dma_wait3A_20] : memref<100000x64xf32, #tpu.memory_space<hbm>> -> memref<100000x64xf32, #tpu.memory_space<hbm>>
      tpu.wait_indirect_dma semaphore(%arg12 : memref<!tpu.dma_semaphore, #tpu.memory_space<semaphore_mem>>) src(%dma_wait3A_21 : memref<100000x64xf32, #tpu.memory_space<hbm>>) dst(%arg9 : memref<256x64xf32, #tpu.memory_space<vmem>>)
      "tpu.region"() ({
        %run_scoped3A = tpu.sem_alloc : memref<!tpu.dma_semaphore, #tpu.memory_space<semaphore_mem>>
        %dma_start3A_22 = arith.constant 64 : i32
        %dma_start3A_23 = tpu.memref_slice %arg6[%add3A_11, %dma_start3A_22] : memref<204800x128xf32, #tpu.memory_space<hbm>> -> memref<256x64xf32, #tpu.memory_space<hbm>>
        %dma_start3A_24 = arith.constant 64 : i32
        %dma_start3A_25 = tpu.memref_slice %arg6[%add3A_11, %dma_start3A_24] : memref<204800x128xf32, #tpu.memory_space<hbm>> -> memref<256x64xf32, #tpu.memory_space<hbm>>
        tpu.enqueue_dma source(%arg9 : memref<256x64xf32, #tpu.memory_space<vmem>>) target(%dma_start3A_25 : memref<256x64xf32, #tpu.memory_space<hbm>>) target_semaphore(%run_scoped3A : memref<!tpu.dma_semaphore, #tpu.memory_space<semaphore_mem>>)
        %dma_wait3A_26 = arith.constant 64 : i32
        %dma_wait3A_27 = tpu.memref_slice %arg6[%add3A_11, %dma_wait3A_26] : memref<204800x128xf32, #tpu.memory_space<hbm>> -> memref<256x64xf32, #tpu.memory_space<hbm>>
        %dma_wait3A_28 = arith.constant 64 : i32
        %dma_wait3A_29 = tpu.memref_slice %arg6[%add3A_11, %dma_wait3A_28] : memref<204800x128xf32, #tpu.memory_space<hbm>> -> memref<256x64xf32, #tpu.memory_space<hbm>>
        tpu.wait_dma2 semaphore(%run_scoped3A : memref<!tpu.dma_semaphore, #tpu.memory_space<semaphore_mem>>) src(%arg9 : memref<256x64xf32, #tpu.memory_space<vmem>>) dst(%dma_wait3A_29 : memref<256x64xf32, #tpu.memory_space<hbm>>)
        tpu.yield
      }) : () -> ()
    }
    %scan3A_7 = arith.constant 25 : i32
    return
  }
}

</mosaic_0001>

<sc_bundles>
// kernel: kernel.3.cloned.1.call-start
scs
__scs_entry_jumppad:
0x0: {  	(pc) =	sbr.rel $0x88, $3  }
0x1: {  	(tag) =	ssettag $0x0;
	lr =	simm.s32 $0x1  }
0x2: {  	[smem:$0x3F9D] =	sst lr;
	_ =	strace $0xD0000000  }
0x3: {  	_ = 	snop  }
0x4: {  	_ = 	snop  }
0x5: {  	_ = 	snop  }
0x6: {  	_ = 	snop  }
0x7: {  	_ = 	snop  }
__scs_overlays_trampoline_lowered:
0x8: {  	[smem:$0x3FAC] =	sst s0  }
0x9: {  	[smem:$0x3FAD] =	sst s1  }
0xa: {  	[smem:$0x3FAE] =	sst s2  }
0xb: {  	[smem:$0x3FAF] =	sst s3  }
0xc: {  	[smem:$0x3FB0] =	sst s4  }
0xd: {  	[smem:$0x3FB1] =	sst s5  }
0xe: {  	[smem:$0x3FB2] =	sst s6  }
0xf: {  	[smem:$0x3FB3] =	sst s7  }
0x10: {  	[smem:$0x3FB4] =	sst s8  }
0x11: {  	[smem:$0x3FB5] =	sst s9;
	s0 =	simm.s32 @!p0 $0x0  }
0x12: {  	s1 =	sld [smem:$0x3F9B];
	s0 =	simm.s32 @p0 $0x1  }
0x13: {  	[smem:$0x3FB6] =	sst s0;
	s0 =	simm.s32 @!p1 $0x0  }
0x14: {  	s2 =	sld [smem:$0x3F9A];
	s0 =	simm.s32 @p1 $0x1  }
0x15: {  	[smem:$0x3FB7] =	sst s0;
	s0 =	simm.s32 @!p2 $0x0  }
0x16: {  	s3 =	sld [smem:$0x3FDB];
	s0 =	simm.s32 @p2 $0x1  }
0x17: {  	s4 =	simm.s32 $0x1BF5;
	[smem:$0x3FB9] =	sst s0  }
0x18: {  	s0 =	sld [smem:$0x3F9C];
	_ =	swait.ge [sflag:s4], $0x0  }
0x19: {  	s7 =	sld [smem:$0x3F9D]  }
0x1a: {  	s8 =	sadd.s32 $0xFFFFE003, lr  }
0x1b: {  	s9 =	sadd.s32 $0xFFFFFEF7, lr;
	s5 =	simm.s32 $0xFFFFFFFF;
	p2 =	slt.u32 s8, $0xFFFFF086  }
0x1c: {  	p1 =	slt.u32 s9, $0xF7A;
	s5 =	simm.s32 @!p2 $0x0  }
0x1d: {  	s5 =	simm.s32 @p1 $0x1;
	p0 =	seq.s32 s7, s2  }
0x1e: {  	s7 =	smul.u32 @!p0 $0xF7A, s2;
	p2 =	seq.s32 @!p0 s5, $0x0  }
0x1f: {  	s9 =	smul.u32 $0xF7A, s1;
	s8 =	simm.s32 @!p0 $0x1BF5;
	p2 =	por !p2, p0  }
0x20: {  	[sflag:s8] =	ssyncset.s32 @!p0 $0xFFFFF086;
	s6 =	sadd.s32 @!p0 s3, s7;
	s7 =	simm.s32 @!p0 $0x108  }
0x21: {  	s3 =	sadd.s32 s3, s9;
	s6 =	sadd.s32 @!p0 $0x88, s6;
	s7 =	simm.s32 @p2 $0x1082  }
0x22: {  	[simem:s7], [sflag:s8] =	dma.local @!p0 [hbm:s6], $0xF7A  }
0x23: {  	s9 =	sor.u32 $0xD0000000, s2;
	s6 =	simm.s32 $0x108;
	_ =	swait.ge @!p0 [sflag:s8], $0x0  }
0x24: {  	s3 =	sadd.s32 $0x88, s3;
	s6 =	simm.s32 @!p1 $0x1082;
	[sflag:s4] =	ssyncset.s32 $0xFFFFF086  }
0x25: {  	[simem:s6], [sflag:s4] =	dma.local [hbm:s3], $0xF7A  }
0x26: {  	[smem:$0x3F9D] =	sst s1;
	(tag) =	ssettag s2;
	_ =	strace s9  }
0x27: {  	s1 =	sld [smem:$0x3FAD]  }
0x28: {  	s2 =	sld [smem:$0x3FAE]  }
0x29: {  	s4 =	sld [smem:$0x3FB0]  }
0x2a: {  	p0 =	seq.s32 s5, $0x0;
	s5 =	sld [smem:$0x3FB1]  }
0x2b: {  	s6 =	sld [smem:$0x3FB2]  }
0x2c: {  	s7 =	sld [smem:$0x3FB3]  }
0x2d: {  	s3 =	simm.s32 $0x108;
	s8 =	sld [smem:$0x3FB4]  }
0x2e: {  	s3 =	simm.s32 @!p0 $0x1082;
	s9 =	sld [smem:$0x3FB5]  }
0x2f: {  	lr =	sadd.s32 s0, s3;
	s0 =	sld [smem:$0x3FAC]  }
0x30: {  	s3 =	sld [smem:$0x3FAF]  }
0x31: {  	[smem:$0x3FB8] =	sst s10  }
0x32: {  	s10 =	sld [smem:$0x3FB6];
	_ =	sdelay $0x3  }
0x33: {  	p0 =	seq.s32 s10, $0x1;
	s10 =	sld [smem:$0x3FB8];
	_ =	sdelay $0x3  }
0x34: {  	[smem:$0x3FB8] =	sst s10  }
0x35: {  	s10 =	sld [smem:$0x3FB7];
	_ =	sdelay $0x3  }
0x36: {  	p1 =	seq.s32 s10, $0x1;
	s10 =	sld [smem:$0x3FB8];
	_ =	sdelay $0x3  }
0x37: {  	[smem:$0x3FB8] =	sst s10  }
0x38: {  	s10 =	sld [smem:$0x3FB9]  }
0x39: {  	_ = 	snop;
	(pc) =	sbr.ind lr, $3  }
0x3a: {  	_ = 	snop  }
0x3b: {  	_ = 	snop  }
0x3c: {  	p2 =	seq.s32 s10, $0x1;
	s10 =	sld [smem:$0x3FB8]  }
0x3d: {  	_ =	shalt  }
0x3e: {  	_ =	shalt  }
0x3f: {  	_ =	shalt  }
0x40: {  	_ =	shalt  }
0x41: {  	_ =	shalt  }
0x42: {  	_ =	shalt  }
0x43: {  	_ =	shalt  }
0x44: {  	_ =	shalt  }
0x45: {  	_ =	shalt  }
0x46: {  	_ =	shalt  }
0x47: {  	_ =	shalt  }
0x48: {  	_ =	shalt  }
0x49: {  	_ =	shalt  }
0x4a: {  	_ =	shalt  }
0x4b: {  	_ =	shalt  }
0x4c: {  	_ =	shalt  }
0x4d: {  	_ =	shalt  }
0x4e: {  	_ =	shalt  }
0x4f: {  	_ =	shalt  }
0x50: {  	_ =	shalt  }
0x51: {  	_ =	shalt  }
0x52: {  	_ =	shalt  }
0x53: {  	_ =	shalt  }
0x54: {  	_ =	shalt  }
0x55: {  	_ =	shalt  }
0x56: {  	_ =	shalt  }
0x57: {  	_ =	shalt  }
0x58: {  	_ =	shalt  }
0x59: {  	_ =	shalt  }
0x5a: {  	_ =	shalt  }
0x5b: {  	_ =	shalt  }
0x5c: {  	_ =	shalt  }
0x5d: {  	_ =	shalt  }
0x5e: {  	_ =	shalt  }
0x5f: {  	_ =	shalt  }
0x60: {  	_ =	shalt  }
0x61: {  	_ =	shalt  }
0x62: {  	_ =	shalt  }
0x63: {  	_ =	shalt  }
0x64: {  	_ =	shalt  }
0x65: {  	_ =	shalt  }
0x66: {  	_ =	shalt  }
0x67: {  	_ =	shalt  }
0x68: {  	_ =	shalt  }
0x69: {  	_ =	shalt  }
0x6a: {  	_ =	shalt  }
0x6b: {  	_ =	shalt  }
0x6c: {  	_ =	shalt  }
0x6d: {  	_ =	shalt  }
0x6e: {  	_ =	shalt  }
0x6f: {  	_ =	shalt  }
0x70: {  	_ =	shalt  }
0x71: {  	_ =	shalt  }
0x72: {  	_ =	shalt  }
0x73: {  	_ =	shalt  }
0x74: {  	_ =	shalt  }
0x75: {  	_ =	shalt  }
0x76: {  	_ =	shalt  }
0x77: {  	_ =	shalt  }
0x78: {  	_ =	shalt  }
0x79: {  	_ =	shalt  }
0x7a: {  	_ =	shalt  }
0x7b: {  	_ =	shalt  }
0x7c: {  	_ =	shalt  }
0x7d: {  	_ =	shalt  }
0x7e: {  	_ =	shalt  }
0x7f: {  	_ =	shalt  }
0x80: {  	_ =	shalt  }
0x81: {  	_ =	shalt  }
0x82: {  	_ =	shalt  }
0x83: {  	_ =	shalt  }
0x84: {  	_ =	shalt  }
0x85: {  	_ =	shalt  }
0x86: {  	_ =	shalt  }
0x87: {  	_ =	shalt  }
.Lfunc_end0:
.L_simem_size_0:
called_computation_lowered:
.L_overlay_start_0:
0x88: {  	s2 =	sld [smem:$0x3FD9]  }
0x89: {  	s3 =	sld [smem:$0x3FFE];
	_ =	sdelay $0x1  }
0x8a: {  	s1 =	srdreg.scid  }
0x8b: {  	s0 =	sand.u32 $0x1, s1  }
0x8c: {  	s17 =	sshll.u32 s0, $0xA;
	s2 =	sadd.s32 s3, s2  }
0x8d: {  	s2 =	sadd.s32 s2, s17  }
0x8e: {  	[smem:$0x3FC4] =	sst s2  }
0x8f: {  	_ = 	snop  }
0x90: {  	s2 =	sld [smem:$0x3FD0];
	(tm) =	ssettm $0x1  }
0x91: {  	s18 =	sld [smem:$0x3FFB];
	_ =	sdelay $0x3  }
0x92: {  	_ =	strace s18  }
0x93: {  	s3 =	sld [smem:$0x3FFC];
	_ =	sdelay $0x3  }
0x94: {  	_ =	strace s3  }
0x95: {  	s3 =	sld [smem:$0x3FFD];
	_ =	sdelay $0x3  }
0x96: {  	_ =	strace s3  }
0x97: {  	_ =	strace $0x8FFFFFFF  }
0x98: {  	s19 =	sld [smem:$0x3FDB];
	_ =	sdelay $0x1  }
0x99: {  	s4 =	simm.s32 $_scs_section_size  }
0x9a: {  	s5 =	simm.s32 $_size__tile_overlayer_lowered;
	s6 =	simm.s32 $_tile_overlayer_lowered  }
0x9b: {  	s22 =	simm.s32 $0x1BFF;
	s21 =	sshll.u32 s6, $0x1;
	s3 =	sadd.s32 s4, s19  }
0x9c: {  	s7 =	simm.s32 $0x0;
	s20 =	sshll.u32 s5, $0x1;
	s5 =	sadd.s32 s21, s3  }
0x9d: {  	[timem:s7], [sflag:s22] =	dma.local [hbm:s5], s20  }
0x9e: {  	_ =	swait.ge [sflag:s22], s20  }
0x9f: {  	s4 =	ssub.s32 $0x0, s20;
	[sflag:s22] =	ssyncset.done $0x0  }
0xa0: {  	[sflag:s22] =	ssyncadd.s32 s4;
	_ =	sdelay $0x1  }
0xa1: {  	s23 =	simm.s32 $0x1B8B  }
0xa2: {  	_ =	swait.ge [sflag:s23], $0x1  }
0xa3: {  	[sflag:s23] =	ssyncset.done $0x0  }
0xa4: {  	s25 =	simm.s32 $0x1B8E;
	s24 =	sld [smem:$0x3FFE];
	[sflag:s23] =	ssyncadd.s32 $0xFFFFFFFF  }
0xa5: {  	s26 =	simm.s32 $execute0_lowered;
	[smem:$0x3FD2] =	sst s25  }
0xa6: {  	s5 =	sshll.u32 s26, $0x1;
	_ =	strace $0x80000046;
	[dreg:$0x1] =	wrdreg $0xFFFFFFFF  }
0xa7: {  	s28 =	simm.s32 $_size_execute0_lowered;
	s3 =	sadd.s32 s3, s5;
	[dreg:$0x0] =	wrdreg $0x0  }
0xa8: {  	s5 =	sshll.u32 s28, $0x1;
	[dreg:$0x2] =	wrdreg s3  }
0xa9: {  	[dreg:$0x3] =	wrdreg s5  }
0xaa: {  	[dreg:$0x4] =	wrdreg $0xC0  }
0xab: {  	_ =	task [dreg:s7], $0x5FFFF  }
0xac: {  	[dreg:$0x1] =	wrdreg $0xFFFFFFFF  }
0xad: {  	[dreg:$0x0] =	wrdreg $0x60  }
0xae: {  	[dreg:$0x2] =	wrdreg s24  }
0xaf: {  	[dreg:$0x3] =	wrdreg s2  }
0xb0: {  	[dreg:$0x4] =	wrdreg $0x9  }
0xb1: {  	_ =	task.clear_ibuf [dreg:s7], $0x5FFFF;
	_ =	strace $0x90000046  }
0xb2: {  	s29 =	simm.s32 $0x9;
	_ =	strace $0x80000048  }
0xb3: {  	_ =	swait.ge [sflag:s29], $0x1  }
0xb4: {  	[sflag:s29] =	ssyncadd.s32 $0xFFFFFFFF  }
0xb5: {  	_ =	strace $0x90000048  }
0xb6: {  	_ =	sfence  }
0xb7: {  	s30 =	sld [smem:$0x0];
	_ =	sdelay $0x2  }
0xb8: {  	s31 =	sshll.u32 s1, $0xD;
	s1 =	sshrl.u32 s1, $0x2  }
0xb9: {  	s3 =	sand.u32 $0x4000, s31;
	s1 =	sadd.s32 s1, s30  }
0xba: {  	s0 =	sor.u32 s3, s0;
	s1 =	sshll.u32 s1, $0x11  }
0xbb: {  	s0 =	sor.u32 s1, s0  }
0xbc: {  	s0 =	sadd.s32 $0x8F2B, s0  }
0xbd: {  	[sflag:s0] =	ssyncadd.remote.s32 $0x1  }
0xbe: {  	_ =	sfence.sel $0xFFFF  }
0xbf: {  	[dreg:$0x0] =	wrdreg $0xFFFFFFFF;
	(pc) =	sbr.abs _section_cstart, $3  }
0xc0: {  	[dreg:$0x1] =	wrdreg $0xFFFFFFFF  }
0xc1: {  	_ =	task.clear_ibuf [dreg:s7], $0x2FFFF;
	_ =	strace $0x9FFFFFFF  }
0xc2: {  	(tm) =	ssettm $0x7FFFFFFF  }
0xc3: {  	_ =	shalt  }
tec
execute0_lowered:
.L_overlay_start_1:
0x0: {  	(tag) =	ssettag $0x1  }
0x1: {  	s7 =	rddreg [dreg:$0x0]  }
0x2: {  	s1 =	rddreg [dreg:$0x1]  }
0x3: {  	s0 =	rddreg [dreg:$0x2];
	s2 =	simm.s32 $0x0;
	s6 =	srdreg.scid  }
0x4: {  	s3 =	stileid.u32;
	s12 =	simm.s32 $0x17A00;
	s13 =	simm.s32 $0x100  }
0x5: {  	s14 =	simm.s32 $0x32000;
	s15 =	simm.s32 $0x17B00;
	s16 =	simm.s32 $0x13A00  }
0x6: {  	s17 =	simm.s32 $0xFA00;
	s18 =	simm.s32 $0x40;
	s19 =	simm.s32 $0x80  }
0x7: {  	s20 =	simm.s32 $0x1;
	s21 =	simm.s32 $0x0;
	[smem:$0x7FF] =	sst s2  }
0x8: {  	s4 =	sadd.s32 $0x2600, s7;
	s5 =	sadd.s32 $0x8A00, s7;
	s8 =	sand.u32 $0x1, s6  }
0x9: {  	s6 =	sadd.s32 $0x600, s7;
	s10 =	sshll.u32 s3, $0x1;
	s9 =	ssub.s32 $0x2, s8  }
0xa: {  	s7 =	sadd.s32 $0x21A00, s7;
	s8 =	sor.u32 s8, s10;
	s11 =	sshrl.u32 s9, $0x1  }
0xb: {  	v0 =	vlaneseq.u32;
	_ =	strace $0x80000047;
	s8 =	smul.u32 $0x1900, s8;
	s31 =	ssub.s32 s9, s11  }
0xc: {  	v0 =	vmul.u32 $0x40, v0;
	s9 =	sadd.s32 $0x8, s1;
	s11 =	simm.s32 $0x2;
	s10 =	smax.u32 s31, $0x1  }
.LBB2_1:
0xd: {  	[tilespmem:s2], [sflag:$0x2] =	stream.linear.gather [hbm4b:s6+s2], $0xFA00, $0x38;
	[tilespmem:$0x17F00] =	vst v63  }
0xe: {  	_ =	swait.ge [sflag:s11], $0xFA00  }
0xf: {  	[sflag:s11] =	ssyncset.done $0x0  }
0x10: {  	s22 =	simm.s32 $0x0;
	[sflag:s11] =	ssyncadd.s32 $0xFFFF0600  }
.LBB2_2:
0x11: {  	s23 =	sshll.u32 s22, $0x8  }
0x12: {  	s23 =	sadd.s32 s8, s23  }
0x13: {  	s25 =	sshrl.u32 s23, $0x3  }
0x14: {  	s24 =	simm.s32 $0x0;
	s26 =	sadd.s32 s4, s25  }
0x15: {  	[tilespmem:s12], [sflag:$0x2] =	stream.linear.gather [hbm4b:s26+s24], $0x100, $0x38;
	[tilespmem:$0x17F00] =	vst v63  }
0x16: {  	_ =	swait.ge [sflag:s11], $0x100  }
0x17: {  	[sflag:s11] =	ssyncset.done $0x0  }
0x18: {  	s25 =	sadd.s32 s5, s25;
	[sflag:s11] =	ssyncadd.s32 $0xFFFFFF00  }
0x19: {  	[tilespmem:s15], [sflag:$0x2] =	stream.strided.gather [hbm4b:s25+s13], $0x400, s14, s13, $0x38;
	[tilespmem:$0x17F00] =	vst v63  }
0x1a: {  	_ =	swait.ge [sflag:s11], $0x400  }
0x1b: {  	[sflag:s11] =	ssyncset.done $0x0  }
0x1c: {  	s25 =	simm.s32 $0x17D00;
	[sflag:s11] =	ssyncadd.s32 $0xFFFFFC00  }
0x1d: {  	[tilespmem:s16], [sflag:$0x1] =	stream.indirect.gather [hbm4b:s7+s13], $0x40, s12, s13, $0xb8;
	[tilespmem:$0x17F00] =	vst v63  }
.LBB2_3:
0x1e: {  	v1 =	vld [tilespmem:s25+$0xFFFFFE00]  }
0x1f: {  	v2 =	vld [tilespmem:s25+$0xFFFFFF00];
	_ =	sdelay $0x1  }
0x20: {  	v5 =	vld [tilespmem:s25+$0x0];
	_ =	sdelay $0x1  }
0x21: {  	v6 =	vld [tilespmem:s25+$0x100];
	v3 =	vshll.u32 v1, $0x6  }
0x22: {  	v4 =	vshll.u32 v2, $0x6;
	_ =	sdelay $0x1  }
0x23: {  	v2 =	vshll.u32 v5, $0x6;
	_ =	sdelay $0x1  }
0x24: {  	v1 =	vshll.u32 v6, $0x6;
	v55 =	vld.idx.msk [tilespmem:v3+s2+$0x0], $0xffff  }
0x25: {  	v56 =	vld.idx.msk [tilespmem:v4+s2+$0x0], $0xffff;
	_ =	sdelay $0x1  }
0x26: {  	v7 =	vld.idx.msk [tilespmem:v2+s2+$0x0], $0xffff;
	_ =	sdelay $0x1  }
0x27: {  	v8 =	vld.idx.msk [tilespmem:v1+s2+$0x0], $0xffff  }
0x28: {  	v5 =	vadd.f32 v56, v55  }
0x29: {  	v57 =	vmov s24  }
0x2a: {  	v6 =	vshll.u32 v57, $0x6;
	v7 =	vadd.f32 v7, v5  }
0x2b: {  	v5 =	vor.u32 v0, v6  }
0x2c: {  	v59 =	vor.u32 $0x1, v3;
	v58 =	vadd.f32 v8, v7  }
0x2d: {  	v60 =	vor.u32 $0x1, v4  }
0x2e: {  	v6 =	vmul.f32 $2.500000000e-01, v58  }
0x2f: {  	v9 =	vor.u32 $0x1, v2  }
0x30: {  	[tilespmem:v5+s17+$0x0] =	vst.idx.msk $0xffff, v6  }
0x31: {  	v61 =	vor.u32 $0x1, v1;
	v6 =	vld.idx.msk [tilespmem:v59+s2+$0x0], $0xffff  }
0x32: {  	v8 =	vld.idx.msk [tilespmem:v60+s2+$0x0], $0xffff;
	_ =	sdelay $0x1  }
0x33: {  	v9 =	vld.idx.msk [tilespmem:v9+s2+$0x0], $0xffff;
	_ =	sdelay $0x1  }
0x34: {  	v7 =	vld.idx.msk [tilespmem:v61+s2+$0x0], $0xffff  }
0x35: {  	v6 =	vadd.f32 v8, v6;
	_ =	sdelay $0x1  }
0x36: {  	v6 =	vadd.f32 v9, v6  }
0x37: {  	v62 =	vor.u32 $0x1, v5  }
0x38: {  	v63 =	vor.u32 $0x2, v3;
	v6 =	vadd.f32 v7, v6  }
0x39: {  	v12 =	vor.u32 $0x2, v4  }
0x3a: {  	v6 =	vmul.f32 $2.500000000e-01, v6  }
0x3b: {  	v10 =	vor.u32 $0x2, v2  }
0x3c: {  	[tilespmem:v62+s17+$0x0] =	vst.idx.msk $0xffff, v6  }
0x3d: {  	v13 =	vor.u32 $0x2, v1;
	v6 =	vld.idx.msk [tilespmem:v63+s2+$0x0], $0xffff  }
0x3e: {  	v8 =	vld.idx.msk [tilespmem:v12+s2+$0x0], $0xffff;
	_ =	sdelay $0x1  }
0x3f: {  	v14 =	vld.idx.msk [tilespmem:v10+s2+$0x0], $0xffff;
	_ =	sdelay $0x1  }
0x40: {  	v7 =	vld.idx.msk [tilespmem:v13+s2+$0x0], $0xffff  }
0x41: {  	v6 =	vadd.f32 v8, v6;
	_ =	sdelay $0x1  }
0x42: {  	v6 =	vadd.f32 v14, v6  }
0x43: {  	v15 =	vor.u32 $0x2, v5  }
0x44: {  	v16 =	vor.u32 $0x3, v3;
	v6 =	vadd.f32 v7, v6  }
0x45: {  	v17 =	vor.u32 $0x3, v4  }
0x46: {  	v6 =	vmul.f32 $2.500000000e-01, v6  }
0x47: {  	v18 =	vor.u32 $0x3, v2  }
0x48: {  	[tilespmem:v15+s17+$0x0] =	vst.idx.msk $0xffff, v6  }
0x49: {  	v19 =	vor.u32 $0x3, v1;
	v6 =	vld.idx.msk [tilespmem:v16+s2+$0x0], $0xffff  }
0x4a: {  	v8 =	vld.idx.msk [tilespmem:v17+s2+$0x0], $0xffff;
	_ =	sdelay $0x1  }
0x4b: {  	v20 =	vld.idx.msk [tilespmem:v18+s2+$0x0], $0xffff;
	_ =	sdelay $0x1  }
0x4c: {  	v7 =	vld.idx.msk [tilespmem:v19+s2+$0x0], $0xffff  }
0x4d: {  	v6 =	vadd.f32 v8, v6;
	_ =	sdelay $0x1  }
0x4e: {  	v6 =	vadd.f32 v20, v6  }
0x4f: {  	v21 =	vor.u32 $0x3, v5  }
0x50: {  	v22 =	vor.u32 $0x4, v3;
	v6 =	vadd.f32 v7, v6  }
0x51: {  	v23 =	vor.u32 $0x4, v4  }
0x52: {  	v6 =	vmul.f32 $2.500000000e-01, v6  }
0x53: {  	v24 =	vor.u32 $0x4, v2  }
0x54: {  	[tilespmem:v21+s17+$0x0] =	vst.idx.msk $0xffff, v6  }
0x55: {  	v25 =	vor.u32 $0x4, v1;
	v6 =	vld.idx.msk [tilespmem:v22+s2+$0x0], $0xffff  }
0x56: {  	v8 =	vld.idx.msk [tilespmem:v23+s2+$0x0], $0xffff;
	_ =	sdelay $0x1  }
0x57: {  	v26 =	vld.idx.msk [tilespmem:v24+s2+$0x0], $0xffff;
	_ =	sdelay $0x1  }
0x58: {  	v7 =	vld.idx.msk [tilespmem:v25+s2+$0x0], $0xffff  }
0x59: {  	v6 =	vadd.f32 v8, v6;
	_ =	sdelay $0x1  }
0x5a: {  	v6 =	vadd.f32 v26, v6  }
0x5b: {  	v27 =	vor.u32 $0x4, v5  }
0x5c: {  	v28 =	vor.u32 $0x5, v3;
	v6 =	vadd.f32 v7, v6  }
0x5d: {  	v29 =	vor.u32 $0x5, v4  }
0x5e: {  	v6 =	vmul.f32 $2.500000000e-01, v6  }
0x5f: {  	v30 =	vor.u32 $0x5, v2  }
0x60: {  	[tilespmem:v27+s17+$0x0] =	vst.idx.msk $0xffff, v6  }
0x61: {  	v31 =	vor.u32 $0x5, v1;
	v6 =	vld.idx.msk [tilespmem:v28+s2+$0x0], $0xffff  }
0x62: {  	v8 =	vld.idx.msk [tilespmem:v29+s2+$0x0], $0xffff;
	_ =	sdelay $0x1  }
0x63: {  	v32 =	vld.idx.msk [tilespmem:v30+s2+$0x0], $0xffff;
	_ =	sdelay $0x1  }
0x64: {  	v7 =	vld.idx.msk [tilespmem:v31+s2+$0x0], $0xffff  }
0x65: {  	v6 =	vadd.f32 v8, v6;
	_ =	sdelay $0x1  }
0x66: {  	v6 =	vadd.f32 v32, v6  }
0x67: {  	v33 =	vor.u32 $0x5, v5  }
0x68: {  	v34 =	vor.u32 $0x6, v3;
	v6 =	vadd.f32 v7, v6  }
0x69: {  	v35 =	vor.u32 $0x6, v4  }
0x6a: {  	v6 =	vmul.f32 $2.500000000e-01, v6  }
0x6b: {  	v36 =	vor.u32 $0x6, v2  }
0x6c: {  	[tilespmem:v33+s17+$0x0] =	vst.idx.msk $0xffff, v6  }
0x6d: {  	v37 =	vor.u32 $0x6, v1;
	v6 =	vld.idx.msk [tilespmem:v34+s2+$0x0], $0xffff  }
0x6e: {  	v8 =	vld.idx.msk [tilespmem:v35+s2+$0x0], $0xffff;
	_ =	sdelay $0x1  }
0x6f: {  	v38 =	vld.idx.msk [tilespmem:v36+s2+$0x0], $0xffff;
	_ =	sdelay $0x1  }
0x70: {  	v7 =	vld.idx.msk [tilespmem:v37+s2+$0x0], $0xffff  }
0x71: {  	v6 =	vadd.f32 v8, v6;
	_ =	sdelay $0x1  }
0x72: {  	v6 =	vadd.f32 v38, v6  }
0x73: {  	v39 =	vor.u32 $0x6, v5  }
0x74: {  	v40 =	vor.u32 $0x7, v3;
	v6 =	vadd.f32 v7, v6  }
0x75: {  	v41 =	vor.u32 $0x7, v4  }
0x76: {  	v6 =	vmul.f32 $2.500000000e-01, v6  }
0x77: {  	v42 =	vor.u32 $0x7, v2  }
0x78: {  	[tilespmem:v39+s17+$0x0] =	vst.idx.msk $0xffff, v6  }
0x79: {  	v43 =	vor.u32 $0x7, v1;
	v6 =	vld.idx.msk [tilespmem:v40+s2+$0x0], $0xffff  }
0x7a: {  	v8 =	vld.idx.msk [tilespmem:v41+s2+$0x0], $0xffff;
	_ =	sdelay $0x1  }
0x7b: {  	v44 =	vld.idx.msk [tilespmem:v42+s2+$0x0], $0xffff;
	_ =	sdelay $0x1  }
0x7c: {  	v7 =	vld.idx.msk [tilespmem:v43+s2+$0x0], $0xffff  }
0x7d: {  	v6 =	vadd.f32 v8, v6;
	_ =	sdelay $0x1  }
0x7e: {  	v6 =	vadd.f32 v44, v6  }
0x7f: {  	v45 =	vor.u32 $0x7, v5  }
0x80: {  	v46 =	vor.u32 $0x8, v3;
	v6 =	vadd.f32 v7, v6  }
0x81: {  	v47 =	vor.u32 $0x8, v4  }
0x82: {  	v6 =	vmul.f32 $2.500000000e-01, v6  }
0x83: {  	v48 =	vor.u32 $0x8, v2  }
0x84: {  	[tilespmem:v45+s17+$0x0] =	vst.idx.msk $0xffff, v6  }
0x85: {  	v49 =	vor.u32 $0x8, v1;
	v6 =	vld.idx.msk [tilespmem:v46+s2+$0x0], $0xffff  }
0x86: {  	v8 =	vld.idx.msk [tilespmem:v47+s2+$0x0], $0xffff;
	_ =	sdelay $0x1  }
0x87: {  	v50 =	vld.idx.msk [tilespmem:v48+s2+$0x0], $0xffff;
	_ =	sdelay $0x1  }
0x88: {  	v7 =	vld.idx.msk [tilespmem:v49+s2+$0x0], $0xffff  }
0x89: {  	v6 =	vadd.f32 v8, v6;
	_ =	sdelay $0x1  }
0x8a: {  	v6 =	vadd.f32 v50, v6  }
0x8b: {  	v51 =	vor.u32 $0x8, v5  }
0x8c: {  	v52 =	vor.u32 $0x9, v3;
	v6 =	vadd.f32 v7, v6  }
0x8d: {  	v53 =	vor.u32 $0x9, v4  }
0x8e: {  	v6 =	vmul.f32 $2.500000000e-01, v6  }
0x8f: {  	v54 =	vor.u32 $0x9, v2  }
0x90: {  	[tilespmem:v51+s17+$0x0] =	vst.idx.msk $0xffff, v6  }
0x91: {  	v55 =	vor.u32 $0x9, v1;
	v6 =	vld.idx.msk [tilespmem:v52+s2+$0x0], $0xffff  }
0x92: {  	v8 =	vld.idx.msk [tilespmem:v53+s2+$0x0], $0xffff;
	_ =	sdelay $0x1  }
0x93: {  	v56 =	vld.idx.msk [tilespmem:v54+s2+$0x0], $0xffff;
	_ =	sdelay $0x1  }
0x94: {  	v7 =	vld.idx.msk [tilespmem:v55+s2+$0x0], $0xffff  }
0x95: {  	v6 =	vadd.f32 v8, v6;
	_ =	sdelay $0x1  }
0x96: {  	v6 =	vadd.f32 v56, v6  }
0x97: {  	v57 =	vor.u32 $0x9, v5  }
0x98: {  	v58 =	vor.u32 $0xA, v3;
	v6 =	vadd.f32 v7, v6  }
0x99: {  	v59 =	vor.u32 $0xA, v4  }
0x9a: {  	v6 =	vmul.f32 $2.500000000e-01, v6  }
0x9b: {  	v60 =	vor.u32 $0xA, v2  }
0x9c: {  	[tilespmem:v57+s17+$0x0] =	vst.idx.msk $0xffff, v6  }
0x9d: {  	v61 =	vor.u32 $0xA, v1;
	v6 =	vld.idx.msk [tilespmem:v58+s2+$0x0], $0xffff  }
0x9e: {  	v8 =	vld.idx.msk [tilespmem:v59+s2+$0x0], $0xffff;
	_ =	sdelay $0x1  }
0x9f: {  	v62 =	vld.idx.msk [tilespmem:v60+s2+$0x0], $0xffff;
	_ =	sdelay $0x1  }
0xa0: {  	v7 =	vld.idx.msk [tilespmem:v61+s2+$0x0], $0xffff  }
0xa1: {  	v6 =	vadd.f32 v8, v6;
	_ =	sdelay $0x1  }
0xa2: {  	v6 =	vadd.f32 v62, v6  }
0xa3: {  	v63 =	vor.u32 $0xA, v5  }
0xa4: {  	v12 =	vor.u32 $0xB, v3;
	v6 =	vadd.f32 v7, v6  }
0xa5: {  	v13 =	vor.u32 $0xB, v4  }
0xa6: {  	v6 =	vmul.f32 $2.500000000e-01, v6  }
0xa7: {  	v14 =	vor.u32 $0xB, v2  }
0xa8: {  	[tilespmem:v63+s17+$0x0] =	vst.idx.msk $0xffff, v6  }
0xa9: {  	v15 =	vor.u32 $0xB, v1;
	v6 =	vld.idx.msk [tilespmem:v12+s2+$0x0], $0xffff  }
0xaa: {  	v8 =	vld.idx.msk [tilespmem:v13+s2+$0x0], $0xffff;
	_ =	sdelay $0x1  }
0xab: {  	v16 =	vld.idx.msk [tilespmem:v14+s2+$0x0], $0xffff;
	_ =	sdelay $0x1  }
0xac: {  	v7 =	vld.idx.msk [tilespmem:v15+s2+$0x0], $0xffff  }
0xad: {  	v6 =	vadd.f32 v8, v6;
	_ =	sdelay $0x1  }
0xae: {  	v6 =	vadd.f32 v16, v6  }
0xaf: {  	v17 =	vor.u32 $0xB, v5  }
0xb0: {  	v18 =	vor.u32 $0xC, v3;
	v6 =	vadd.f32 v7, v6  }
0xb1: {  	v19 =	vor.u32 $0xC, v4  }
0xb2: {  	v6 =	vmul.f32 $2.500000000e-01, v6  }
0xb3: {  	v20 =	vor.u32 $0xC, v2  }
0xb4: {  	[tilespmem:v17+s17+$0x0] =	vst.idx.msk $0xffff, v6  }
0xb5: {  	v21 =	vor.u32 $0xC, v1;
	v6 =	vld.idx.msk [tilespmem:v18+s2+$0x0], $0xffff  }
0xb6: {  	v8 =	vld.idx.msk [tilespmem:v19+s2+$0x0], $0xffff;
	_ =	sdelay $0x1  }
0xb7: {  	v22 =	vld.idx.msk [tilespmem:v20+s2+$0x0], $0xffff;
	_ =	sdelay $0x1  }
0xb8: {  	v7 =	vld.idx.msk [tilespmem:v21+s2+$0x0], $0xffff  }
0xb9: {  	v6 =	vadd.f32 v8, v6;
	_ =	sdelay $0x1  }
0xba: {  	v6 =	vadd.f32 v22, v6  }
0xbb: {  	v23 =	vor.u32 $0xC, v5  }
0xbc: {  	v24 =	vor.u32 $0xD, v3;
	v6 =	vadd.f32 v7, v6  }
0xbd: {  	v25 =	vor.u32 $0xD, v4  }
0xbe: {  	v6 =	vmul.f32 $2.500000000e-01, v6  }
0xbf: {  	v26 =	vor.u32 $0xD, v2  }
0xc0: {  	[tilespmem:v23+s17+$0x0] =	vst.idx.msk $0xffff, v6  }
0xc1: {  	v27 =	vor.u32 $0xD, v1;
	v6 =	vld.idx.msk [tilespmem:v24+s2+$0x0], $0xffff  }
0xc2: {  	v8 =	vld.idx.msk [tilespmem:v25+s2+$0x0], $0xffff;
	_ =	sdelay $0x1  }
0xc3: {  	v28 =	vld.idx.msk [tilespmem:v26+s2+$0x0], $0xffff;
	_ =	sdelay $0x1  }
0xc4: {  	v7 =	vld.idx.msk [tilespmem:v27+s2+$0x0], $0xffff  }
0xc5: {  	v6 =	vadd.f32 v8, v6;
	_ =	sdelay $0x1  }
0xc6: {  	v6 =	vadd.f32 v28, v6  }
0xc7: {  	v29 =	vor.u32 $0xD, v5  }
0xc8: {  	v30 =	vor.u32 $0xE, v3;
	v6 =	vadd.f32 v7, v6  }
0xc9: {  	v31 =	vor.u32 $0xE, v4  }
0xca: {  	v6 =	vmul.f32 $2.500000000e-01, v6  }
0xcb: {  	v32 =	vor.u32 $0xE, v2  }
0xcc: {  	[tilespmem:v29+s17+$0x0] =	vst.idx.msk $0xffff, v6  }
0xcd: {  	v33 =	vor.u32 $0xE, v1;
	v6 =	vld.idx.msk [tilespmem:v30+s2+$0x0], $0xffff  }
0xce: {  	v8 =	vld.idx.msk [tilespmem:v31+s2+$0x0], $0xffff;
	_ =	sdelay $0x1  }
0xcf: {  	v34 =	vld.idx.msk [tilespmem:v32+s2+$0x0], $0xffff;
	_ =	sdelay $0x1  }
0xd0: {  	v7 =	vld.idx.msk [tilespmem:v33+s2+$0x0], $0xffff  }
0xd1: {  	v6 =	vadd.f32 v8, v6;
	_ =	sdelay $0x1  }
0xd2: {  	v6 =	vadd.f32 v34, v6  }
0xd3: {  	v35 =	vor.u32 $0xE, v5  }
0xd4: {  	v36 =	vor.u32 $0xF, v3;
	v6 =	vadd.f32 v7, v6  }
0xd5: {  	v37 =	vor.u32 $0xF, v4  }
0xd6: {  	v6 =	vmul.f32 $2.500000000e-01, v6  }
0xd7: {  	v38 =	vor.u32 $0xF, v2  }
0xd8: {  	[tilespmem:v35+s17+$0x0] =	vst.idx.msk $0xffff, v6  }
0xd9: {  	v39 =	vor.u32 $0xF, v1;
	v6 =	vld.idx.msk [tilespmem:v36+s2+$0x0], $0xffff  }
0xda: {  	v8 =	vld.idx.msk [tilespmem:v37+s2+$0x0], $0xffff;
	_ =	sdelay $0x1  }
0xdb: {  	v40 =	vld.idx.msk [tilespmem:v38+s2+$0x0], $0xffff;
	_ =	sdelay $0x1  }
0xdc: {  	v7 =	vld.idx.msk [tilespmem:v39+s2+$0x0], $0xffff  }
0xdd: {  	v6 =	vadd.f32 v8, v6;
	_ =	sdelay $0x1  }
0xde: {  	v6 =	vadd.f32 v40, v6  }
0xdf: {  	v41 =	vor.u32 $0xF, v5  }
0xe0: {  	v42 =	vor.u32 $0x10, v3;
	v6 =	vadd.f32 v7, v6  }
0xe1: {  	v43 =	vor.u32 $0x10, v4  }
0xe2: {  	v6 =	vmul.f32 $2.500000000e-01, v6  }
0xe3: {  	v44 =	vor.u32 $0x10, v2  }
0xe4: {  	[tilespmem:v41+s17+$0x0] =	vst.idx.msk $0xffff, v6  }
0xe5: {  	v45 =	vor.u32 $0x10, v1;
	v6 =	vld.idx.msk [tilespmem:v42+s2+$0x0], $0xffff  }
0xe6: {  	v8 =	vld.idx.msk [tilespmem:v43+s2+$0x0], $0xffff;
	_ =	sdelay $0x1  }
0xe7: {  	v46 =	vld.idx.msk [tilespmem:v44+s2+$0x0], $0xffff;
	_ =	sdelay $0x1  }
0xe8: {  	v7 =	vld.idx.msk [tilespmem:v45+s2+$0x0], $0xffff  }
0xe9: {  	v6 =	vadd.f32 v8, v6;
	_ =	sdelay $0x1  }
0xea: {  	v6 =	vadd.f32 v46, v6  }
0xeb: {  	v47 =	vor.u32 $0x10, v5  }
0xec: {  	v48 =	vor.u32 $0x11, v3;
	v6 =	vadd.f32 v7, v6  }
0xed: {  	v49 =	vor.u32 $0x11, v4  }
0xee: {  	v6 =	vmul.f32 $2.500000000e-01, v6  }
0xef: {  	v50 =	vor.u32 $0x11, v2  }
0xf0: {  	[tilespmem:v47+s17+$0x0] =	vst.idx.msk $0xffff, v6  }
0xf1: {  	v51 =	vor.u32 $0x11, v1;
	v6 =	vld.idx.msk [tilespmem:v48+s2+$0x0], $0xffff  }
0xf2: {  	v8 =	vld.idx.msk [tilespmem:v49+s2+$0x0], $0xffff;
	_ =	sdelay $0x1  }
0xf3: {  	v52 =	vld.idx.msk [tilespmem:v50+s2+$0x0], $0xffff;
	_ =	sdelay $0x1  }
0xf4: {  	v7 =	vld.idx.msk [tilespmem:v51+s2+$0x0], $0xffff  }
0xf5: {  	v6 =	vadd.f32 v8, v6;
	_ =	sdelay $0x1  }
0xf6: {  	v6 =	vadd.f32 v52, v6  }
0xf7: {  	v53 =	vor.u32 $0x11, v5  }
0xf8: {  	v54 =	vor.u32 $0x12, v3;
	v6 =	vadd.f32 v7, v6  }
0xf9: {  	v55 =	vor.u32 $0x12, v4  }
0xfa: {  	v6 =	vmul.f32 $2.500000000e-01, v6  }
0xfb: {  	v56 =	vor.u32 $0x12, v2  }
0xfc: {  	[tilespmem:v53+s17+$0x0] =	vst.idx.msk $0xffff, v6  }
0xfd: {  	v57 =	vor.u32 $0x12, v1;
	v6 =	vld.idx.msk [tilespmem:v54+s2+$0x0], $0xffff  }
0xfe: {  	v8 =	vld.idx.msk [tilespmem:v55+s2+$0x0], $0xffff;
	_ =	sdelay $0x1  }
0xff: {  	v58 =	vld.idx.msk [tilespmem:v56+s2+$0x0], $0xffff;
	_ =	sdelay $0x1  }
0x100: {  	v7 =	vld.idx.msk [tilespmem:v57+s2+$0x0], $0xffff  }
0x101: {  	v6 =	vadd.f32 v8, v6;
	_ =	sdelay $0x1  }
0x102: {  	v6 =	vadd.f32 v58, v6  }
0x103: {  	v59 =	vor.u32 $0x12, v5  }
0x104: {  	v60 =	vor.u32 $0x13, v3;
	v6 =	vadd.f32 v7, v6  }
0x105: {  	v61 =	vor.u32 $0x13, v4  }
0x106: {  	v6 =	vmul.f32 $2.500000000e-01, v6  }
0x107: {  	v62 =	vor.u32 $0x13, v2  }
0x108: {  	[tilespmem:v59+s17+$0x0] =	vst.idx.msk $0xffff, v6  }
0x109: {  	v63 =	vor.u32 $0x13, v1;
	v6 =	vld.idx.msk [tilespmem:v60+s2+$0x0], $0xffff  }
0x10a: {  	v8 =	vld.idx.msk [tilespmem:v61+s2+$0x0], $0xffff;
	_ =	sdelay $0x1  }
0x10b: {  	v12 =	vld.idx.msk [tilespmem:v62+s2+$0x0], $0xffff;
	_ =	sdelay $0x1  }
0x10c: {  	v7 =	vld.idx.msk [tilespmem:v63+s2+$0x0], $0xffff  }
0x10d: {  	v6 =	vadd.f32 v8, v6;
	_ =	sdelay $0x1  }
0x10e: {  	v6 =	vadd.f32 v12, v6  }
0x10f: {  	v13 =	vor.u32 $0x13, v5  }
0x110: {  	v14 =	vor.u32 $0x14, v3;
	v6 =	vadd.f32 v7, v6  }
0x111: {  	v15 =	vor.u32 $0x14, v4  }
0x112: {  	v6 =	vmul.f32 $2.500000000e-01, v6  }
0x113: {  	v16 =	vor.u32 $0x14, v2  }
0x114: {  	[tilespmem:v13+s17+$0x0] =	vst.idx.msk $0xffff, v6  }
0x115: {  	v17 =	vor.u32 $0x14, v1;
	v6 =	vld.idx.msk [tilespmem:v14+s2+$0x0], $0xffff  }
0x116: {  	v8 =	vld.idx.msk [tilespmem:v15+s2+$0x0], $0xffff;
	_ =	sdelay $0x1  }
0x117: {  	v18 =	vld.idx.msk [tilespmem:v16+s2+$0x0], $0xffff;
	_ =	sdelay $0x1  }
0x118: {  	v7 =	vld.idx.msk [tilespmem:v17+s2+$0x0], $0xffff  }
0x119: {  	v6 =	vadd.f32 v8, v6;
	_ =	sdelay $0x1  }
0x11a: {  	v6 =	vadd.f32 v18, v6  }
0x11b: {  	v19 =	vor.u32 $0x14, v5  }
0x11c: {  	v20 =	vor.u32 $0x15, v3;
	v6 =	vadd.f32 v7, v6  }
0x11d: {  	v21 =	vor.u32 $0x15, v4  }
0x11e: {  	v6 =	vmul.f32 $2.500000000e-01, v6  }
0x11f: {  	v22 =	vor.u32 $0x15, v2  }
0x120: {  	[tilespmem:v19+s17+$0x0] =	vst.idx.msk $0xffff, v6  }
0x121: {  	v23 =	vor.u32 $0x15, v1;
	v6 =	vld.idx.msk [tilespmem:v20+s2+$0x0], $0xffff  }
0x122: {  	v8 =	vld.idx.msk [tilespmem:v21+s2+$0x0], $0xffff;
	_ =	sdelay $0x1  }
0x123: {  	v24 =	vld.idx.msk [tilespmem:v22+s2+$0x0], $0xffff;
	_ =	sdelay $0x1  }
0x124: {  	v7 =	vld.idx.msk [tilespmem:v23+s2+$0x0], $0xffff  }
0x125: {  	v6 =	vadd.f32 v8, v6;
	_ =	sdelay $0x1  }
0x126: {  	v6 =	vadd.f32 v24, v6  }
0x127: {  	v25 =	vor.u32 $0x15, v5  }
0x128: {  	v26 =	vor.u32 $0x16, v3;
	v6 =	vadd.f32 v7, v6  }
0x129: {  	v27 =	vor.u32 $0x16, v4  }
0x12a: {  	v6 =	vmul.f32 $2.500000000e-01, v6  }
0x12b: {  	v28 =	vor.u32 $0x16, v2  }
0x12c: {  	[tilespmem:v25+s17+$0x0] =	vst.idx.msk $0xffff, v6  }
0x12d: {  	v29 =	vor.u32 $0x16, v1;
	v6 =	vld.idx.msk [tilespmem:v26+s2+$0x0], $0xffff  }
0x12e: {  	v8 =	vld.idx.msk [tilespmem:v27+s2+$0x0], $0xffff;
	_ =	sdelay $0x1  }
0x12f: {  	v30 =	vld.idx.msk [tilespmem:v28+s2+$0x0], $0xffff;
	_ =	sdelay $0x1  }
0x130: {  	v7 =	vld.idx.msk [tilespmem:v29+s2+$0x0], $0xffff  }
0x131: {  	v6 =	vadd.f32 v8, v6;
	_ =	sdelay $0x1  }
0x132: {  	v6 =	vadd.f32 v30, v6  }
0x133: {  	v31 =	vor.u32 $0x16, v5  }
0x134: {  	v32 =	vor.u32 $0x17, v3;
	v6 =	vadd.f32 v7, v6  }
0x135: {  	v33 =	vor.u32 $0x17, v4  }
0x136: {  	v6 =	vmul.f32 $2.500000000e-01, v6  }
0x137: {  	v34 =	vor.u32 $0x17, v2  }
0x138: {  	[tilespmem:v31+s17+$0x0] =	vst.idx.msk $0xffff, v6  }
0x139: {  	v35 =	vor.u32 $0x17, v1;
	v6 =	vld.idx.msk [tilespmem:v32+s2+$0x0], $0xffff  }
0x13a: {  	v8 =	vld.idx.msk [tilespmem:v33+s2+$0x0], $0xffff;
	_ =	sdelay $0x1  }
0x13b: {  	v36 =	vld.idx.msk [tilespmem:v34+s2+$0x0], $0xffff;
	_ =	sdelay $0x1  }
0x13c: {  	v7 =	vld.idx.msk [tilespmem:v35+s2+$0x0], $0xffff  }
0x13d: {  	v6 =	vadd.f32 v8, v6;
	_ =	sdelay $0x1  }
0x13e: {  	v6 =	vadd.f32 v36, v6  }
0x13f: {  	v37 =	vor.u32 $0x17, v5  }
0x140: {  	v38 =	vor.u32 $0x18, v3;
	v6 =	vadd.f32 v7, v6  }
0x141: {  	v39 =	vor.u32 $0x18, v4  }
0x142: {  	v6 =	vmul.f32 $2.500000000e-01, v6  }
0x143: {  	v40 =	vor.u32 $0x18, v2  }
0x144: {  	[tilespmem:v37+s17+$0x0] =	vst.idx.msk $0xffff, v6  }
0x145: {  	v41 =	vor.u32 $0x18, v1;
	v6 =	vld.idx.msk [tilespmem:v38+s2+$0x0], $0xffff  }
0x146: {  	v8 =	vld.idx.msk [tilespmem:v39+s2+$0x0], $0xffff;
	_ =	sdelay $0x1  }
0x147: {  	v42 =	vld.idx.msk [tilespmem:v40+s2+$0x0], $0xffff;
	_ =	sdelay $0x1  }
0x148: {  	v7 =	vld.idx.msk [tilespmem:v41+s2+$0x0], $0xffff  }
0x149: {  	v6 =	vadd.f32 v8, v6;
	_ =	sdelay $0x1  }
0x14a: {  	v6 =	vadd.f32 v42, v6  }
0x14b: {  	v43 =	vor.u32 $0x18, v5  }
0x14c: {  	v44 =	vor.u32 $0x19, v3;
	v6 =	vadd.f32 v7, v6  }
0x14d: {  	v45 =	vor.u32 $0x19, v4  }
0x14e: {  	v6 =	vmul.f32 $2.500000000e-01, v6  }
0x14f: {  	v46 =	vor.u32 $0x19, v2  }
0x150: {  	[tilespmem:v43+s17+$0x0] =	vst.idx.msk $0xffff, v6  }
0x151: {  	v47 =	vor.u32 $0x19, v1;
	v6 =	vld.idx.msk [tilespmem:v44+s2+$0x0], $0xffff  }
0x152: {  	v8 =	vld.idx.msk [tilespmem:v45+s2+$0x0], $0xffff;
	_ =	sdelay $0x1  }
0x153: {  	v48 =	vld.idx.msk [tilespmem:v46+s2+$0x0], $0xffff;
	_ =	sdelay $0x1  }
0x154: {  	v7 =	vld.idx.msk [tilespmem:v47+s2+$0x0], $0xffff  }
0x155: {  	v6 =	vadd.f32 v8, v6;
	_ =	sdelay $0x1  }
0x156: {  	v6 =	vadd.f32 v48, v6  }
0x157: {  	v49 =	vor.u32 $0x19, v5  }
0x158: {  	v50 =	vor.u32 $0x1A, v3;
	v6 =	vadd.f32 v7, v6  }
0x159: {  	v51 =	vor.u32 $0x1A, v4  }
0x15a: {  	v6 =	vmul.f32 $2.500000000e-01, v6  }
0x15b: {  	v52 =	vor.u32 $0x1A, v2  }
0x15c: {  	[tilespmem:v49+s17+$0x0] =	vst.idx.msk $0xffff, v6  }
0x15d: {  	v53 =	vor.u32 $0x1A, v1;
	v6 =	vld.idx.msk [tilespmem:v50+s2+$0x0], $0xffff  }
0x15e: {  	v8 =	vld.idx.msk [tilespmem:v51+s2+$0x0], $0xffff;
	_ =	sdelay $0x1  }
0x15f: {  	v54 =	vld.idx.msk [tilespmem:v52+s2+$0x0], $0xffff;
	_ =	sdelay $0x1  }
0x160: {  	v7 =	vld.idx.msk [tilespmem:v53+s2+$0x0], $0xffff  }
0x161: {  	v6 =	vadd.f32 v8, v6;
	_ =	sdelay $0x1  }
0x162: {  	v6 =	vadd.f32 v54, v6  }
0x163: {  	v55 =	vor.u32 $0x1A, v5  }
0x164: {  	v56 =	vor.u32 $0x1B, v3;
	v6 =	vadd.f32 v7, v6  }
0x165: {  	v57 =	vor.u32 $0x1B, v4  }
0x166: {  	v6 =	vmul.f32 $2.500000000e-01, v6  }
0x167: {  	v58 =	vor.u32 $0x1B, v2  }
0x168: {  	[tilespmem:v55+s17+$0x0] =	vst.idx.msk $0xffff, v6  }
0x169: {  	v59 =	vor.u32 $0x1B, v1;
	v6 =	vld.idx.msk [tilespmem:v56+s2+$0x0], $0xffff  }
0x16a: {  	v8 =	vld.idx.msk [tilespmem:v57+s2+$0x0], $0xffff;
	_ =	sdelay $0x1  }
0x16b: {  	v60 =	vld.idx.msk [tilespmem:v58+s2+$0x0], $0xffff;
	_ =	sdelay $0x1  }
0x16c: {  	v7 =	vld.idx.msk [tilespmem:v59+s2+$0x0], $0xffff  }
0x16d: {  	v6 =	vadd.f32 v8, v6;
	_ =	sdelay $0x1  }
0x16e: {  	v6 =	vadd.f32 v60, v6  }
0x16f: {  	v61 =	vor.u32 $0x1B, v5  }
0x170: {  	v62 =	vor.u32 $0x1C, v3;
	v6 =	vadd.f32 v7, v6  }
0x171: {  	v63 =	vor.u32 $0x1C, v4  }
0x172: {  	v6 =	vmul.f32 $2.500000000e-01, v6  }
0x173: {  	v12 =	vor.u32 $0x1C, v2  }
0x174: {  	[tilespmem:v61+s17+$0x0] =	vst.idx.msk $0xffff, v6  }
0x175: {  	v13 =	vor.u32 $0x1C, v1;
	v6 =	vld.idx.msk [tilespmem:v62+s2+$0x0], $0xffff  }
0x176: {  	v8 =	vld.idx.msk [tilespmem:v63+s2+$0x0], $0xffff;
	_ =	sdelay $0x1  }
0x177: {  	v14 =	vld.idx.msk [tilespmem:v12+s2+$0x0], $0xffff;
	_ =	sdelay $0x1  }
0x178: {  	v7 =	vld.idx.msk [tilespmem:v13+s2+$0x0], $0xffff  }
0x179: {  	v6 =	vadd.f32 v8, v6;
	_ =	sdelay $0x1  }
0x17a: {  	v6 =	vadd.f32 v14, v6  }
0x17b: {  	v15 =	vor.u32 $0x1C, v5  }
0x17c: {  	v16 =	vor.u32 $0x1D, v3;
	v6 =	vadd.f32 v7, v6  }
0x17d: {  	v17 =	vor.u32 $0x1D, v4  }
0x17e: {  	v6 =	vmul.f32 $2.500000000e-01, v6  }
0x17f: {  	v18 =	vor.u32 $0x1D, v2  }
0x180: {  	[tilespmem:v15+s17+$0x0] =	vst.idx.msk $0xffff, v6  }
0x181: {  	v19 =	vor.u32 $0x1D, v1;
	v6 =	vld.idx.msk [tilespmem:v16+s2+$0x0], $0xffff  }
0x182: {  	v8 =	vld.idx.msk [tilespmem:v17+s2+$0x0], $0xffff;
	_ =	sdelay $0x1  }
0x183: {  	v20 =	vld.idx.msk [tilespmem:v18+s2+$0x0], $0xffff;
	_ =	sdelay $0x1  }
0x184: {  	v7 =	vld.idx.msk [tilespmem:v19+s2+$0x0], $0xffff  }
0x185: {  	v6 =	vadd.f32 v8, v6;
	_ =	sdelay $0x1  }
0x186: {  	v6 =	vadd.f32 v20, v6  }
0x187: {  	v21 =	vor.u32 $0x1D, v5  }
0x188: {  	v22 =	vor.u32 $0x1E, v3;
	v6 =	vadd.f32 v7, v6  }
0x189: {  	v23 =	vor.u32 $0x1E, v4  }
0x18a: {  	v6 =	vmul.f32 $2.500000000e-01, v6  }
0x18b: {  	v24 =	vor.u32 $0x1E, v2  }
0x18c: {  	[tilespmem:v21+s17+$0x0] =	vst.idx.msk $0xffff, v6  }
0x18d: {  	v25 =	vor.u32 $0x1E, v1;
	v6 =	vld.idx.msk [tilespmem:v22+s2+$0x0], $0xffff  }
0x18e: {  	v8 =	vld.idx.msk [tilespmem:v23+s2+$0x0], $0xffff;
	_ =	sdelay $0x1  }
0x18f: {  	v26 =	vld.idx.msk [tilespmem:v24+s2+$0x0], $0xffff;
	_ =	sdelay $0x1  }
0x190: {  	v7 =	vld.idx.msk [tilespmem:v25+s2+$0x0], $0xffff  }
0x191: {  	v6 =	vadd.f32 v8, v6;
	_ =	sdelay $0x1  }
0x192: {  	v6 =	vadd.f32 v26, v6  }
0x193: {  	v27 =	vor.u32 $0x1E, v5  }
0x194: {  	v28 =	vor.u32 $0x1F, v3;
	v6 =	vadd.f32 v7, v6  }
0x195: {  	v29 =	vor.u32 $0x1F, v4  }
0x196: {  	v6 =	vmul.f32 $2.500000000e-01, v6  }
0x197: {  	v30 =	vor.u32 $0x1F, v2  }
0x198: {  	[tilespmem:v27+s17+$0x0] =	vst.idx.msk $0xffff, v6  }
0x199: {  	v31 =	vor.u32 $0x1F, v1;
	v6 =	vld.idx.msk [tilespmem:v28+s2+$0x0], $0xffff  }
0x19a: {  	v8 =	vld.idx.msk [tilespmem:v29+s2+$0x0], $0xffff;
	_ =	sdelay $0x1  }
0x19b: {  	v32 =	vld.idx.msk [tilespmem:v30+s2+$0x0], $0xffff;
	_ =	sdelay $0x1  }
0x19c: {  	v7 =	vld.idx.msk [tilespmem:v31+s2+$0x0], $0xffff  }
0x19d: {  	v6 =	vadd.f32 v8, v6;
	_ =	sdelay $0x1  }
0x19e: {  	v6 =	vadd.f32 v32, v6  }
0x19f: {  	v33 =	vor.u32 $0x1F, v5  }
0x1a0: {  	v34 =	vor.u32 $0x20, v3;
	v6 =	vadd.f32 v7, v6  }
0x1a1: {  	v35 =	vor.u32 $0x20, v4  }
0x1a2: {  	v6 =	vmul.f32 $2.500000000e-01, v6  }
0x1a3: {  	v36 =	vor.u32 $0x20, v2  }
0x1a4: {  	[tilespmem:v33+s17+$0x0] =	vst.idx.msk $0xffff, v6  }
0x1a5: {  	v37 =	vor.u32 $0x20, v1;
	v6 =	vld.idx.msk [tilespmem:v34+s2+$0x0], $0xffff  }
0x1a6: {  	v8 =	vld.idx.msk [tilespmem:v35+s2+$0x0], $0xffff;
	_ =	sdelay $0x1  }
0x1a7: {  	v38 =	vld.idx.msk [tilespmem:v36+s2+$0x0], $0xffff;
	_ =	sdelay $0x1  }
0x1a8: {  	v7 =	vld.idx.msk [tilespmem:v37+s2+$0x0], $0xffff  }
0x1a9: {  	v6 =	vadd.f32 v8, v6;
	_ =	sdelay $0x1  }
0x1aa: {  	v6 =	vadd.f32 v38, v6  }
0x1ab: {  	v39 =	vor.u32 $0x20, v5  }
0x1ac: {  	v40 =	vor.u32 $0x21, v3;
	v6 =	vadd.f32 v7, v6  }
0x1ad: {  	v41 =	vor.u32 $0x21, v4  }
0x1ae: {  	v6 =	vmul.f32 $2.500000000e-01, v6  }
0x1af: {  	v42 =	vor.u32 $0x21, v2  }
0x1b0: {  	[tilespmem:v39+s17+$0x0] =	vst.idx.msk $0xffff, v6  }
0x1b1: {  	v43 =	vor.u32 $0x21, v1;
	v6 =	vld.idx.msk [tilespmem:v40+s2+$0x0], $0xffff  }
0x1b2: {  	v8 =	vld.idx.msk [tilespmem:v41+s2+$0x0], $0xffff;
	_ =	sdelay $0x1  }
0x1b3: {  	v44 =	vld.idx.msk [tilespmem:v42+s2+$0x0], $0xffff;
	_ =	sdelay $0x1  }
0x1b4: {  	v7 =	vld.idx.msk [tilespmem:v43+s2+$0x0], $0xffff  }
0x1b5: {  	v6 =	vadd.f32 v8, v6;
	_ =	sdelay $0x1  }
0x1b6: {  	v6 =	vadd.f32 v44, v6  }
0x1b7: {  	v45 =	vor.u32 $0x21, v5  }
0x1b8: {  	v46 =	vor.u32 $0x22, v3;
	v6 =	vadd.f32 v7, v6  }
0x1b9: {  	v47 =	vor.u32 $0x22, v4  }
0x1ba: {  	v6 =	vmul.f32 $2.500000000e-01, v6  }
0x1bb: {  	v48 =	vor.u32 $0x22, v2  }
0x1bc: {  	[tilespmem:v45+s17+$0x0] =	vst.idx.msk $0xffff, v6  }
0x1bd: {  	v49 =	vor.u32 $0x22, v1;
	v6 =	vld.idx.msk [tilespmem:v46+s2+$0x0], $0xffff  }
0x1be: {  	v8 =	vld.idx.msk [tilespmem:v47+s2+$0x0], $0xffff;
	_ =	sdelay $0x1  }
0x1bf: {  	v50 =	vld.idx.msk [tilespmem:v48+s2+$0x0], $0xffff;
	_ =	sdelay $0x1  }
0x1c0: {  	v7 =	vld.idx.msk [tilespmem:v49+s2+$0x0], $0xffff  }
0x1c1: {  	v6 =	vadd.f32 v8, v6;
	_ =	sdelay $0x1  }
0x1c2: {  	v6 =	vadd.f32 v50, v6  }
0x1c3: {  	v51 =	vor.u32 $0x22, v5  }
0x1c4: {  	v52 =	vor.u32 $0x23, v3;
	v6 =	vadd.f32 v7, v6  }
0x1c5: {  	v53 =	vor.u32 $0x23, v4  }
0x1c6: {  	v6 =	vmul.f32 $2.500000000e-01, v6  }
0x1c7: {  	v54 =	vor.u32 $0x23, v2  }
0x1c8: {  	[tilespmem:v51+s17+$0x0] =	vst.idx.msk $0xffff, v6  }
0x1c9: {  	v55 =	vor.u32 $0x23, v1;
	v6 =	vld.idx.msk [tilespmem:v52+s2+$0x0], $0xffff  }
0x1ca: {  	v8 =	vld.idx.msk [tilespmem:v53+s2+$0x0], $0xffff;
	_ =	sdelay $0x1  }
0x1cb: {  	v56 =	vld.idx.msk [tilespmem:v54+s2+$0x0], $0xffff;
	_ =	sdelay $0x1  }
0x1cc: {  	v7 =	vld.idx.msk [tilespmem:v55+s2+$0x0], $0xffff  }
0x1cd: {  	v6 =	vadd.f32 v8, v6;
	_ =	sdelay $0x1  }
0x1ce: {  	v6 =	vadd.f32 v56, v6  }
0x1cf: {  	v57 =	vor.u32 $0x23, v5  }
0x1d0: {  	v58 =	vor.u32 $0x24, v3;
	v6 =	vadd.f32 v7, v6  }
0x1d1: {  	v59 =	vor.u32 $0x24, v4  }
0x1d2: {  	v6 =	vmul.f32 $2.500000000e-01, v6  }
0x1d3: {  	v60 =	vor.u32 $0x24, v2  }
0x1d4: {  	[tilespmem:v57+s17+$0x0] =	vst.idx.msk $0xffff, v6  }
0x1d5: {  	v61 =	vor.u32 $0x24, v1;
	v6 =	vld.idx.msk [tilespmem:v58+s2+$0x0], $0xffff  }
0x1d6: {  	v8 =	vld.idx.msk [tilespmem:v59+s2+$0x0], $0xffff;
	_ =	sdelay $0x1  }
0x1d7: {  	v62 =	vld.idx.msk [tilespmem:v60+s2+$0x0], $0xffff;
	_ =	sdelay $0x1  }
0x1d8: {  	v7 =	vld.idx.msk [tilespmem:v61+s2+$0x0], $0xffff  }
0x1d9: {  	v6 =	vadd.f32 v8, v6;
	_ =	sdelay $0x1  }
0x1da: {  	v6 =	vadd.f32 v62, v6  }
0x1db: {  	v63 =	vor.u32 $0x24, v5  }
0x1dc: {  	v12 =	vor.u32 $0x25, v3;
	v6 =	vadd.f32 v7, v6  }
0x1dd: {  	v13 =	vor.u32 $0x25, v4  }
0x1de: {  	v6 =	vmul.f32 $2.500000000e-01, v6  }
0x1df: {  	v14 =	vor.u32 $0x25, v2  }
0x1e0: {  	[tilespmem:v63+s17+$0x0] =	vst.idx.msk $0xffff, v6  }
0x1e1: {  	v15 =	vor.u32 $0x25, v1;
	v6 =	vld.idx.msk [tilespmem:v12+s2+$0x0], $0xffff  }
0x1e2: {  	v8 =	vld.idx.msk [tilespmem:v13+s2+$0x0], $0xffff;
	_ =	sdelay $0x1  }
0x1e3: {  	v16 =	vld.idx.msk [tilespmem:v14+s2+$0x0], $0xffff;
	_ =	sdelay $0x1  }
0x1e4: {  	v7 =	vld.idx.msk [tilespmem:v15+s2+$0x0], $0xffff  }
0x1e5: {  	v6 =	vadd.f32 v8, v6;
	_ =	sdelay $0x1  }
0x1e6: {  	v6 =	vadd.f32 v16, v6  }
0x1e7: {  	v17 =	vor.u32 $0x25, v5  }
0x1e8: {  	v18 =	vor.u32 $0x26, v3;
	v6 =	vadd.f32 v7, v6  }
0x1e9: {  	v19 =	vor.u32 $0x26, v4  }
0x1ea: {  	v6 =	vmul.f32 $2.500000000e-01, v6  }
0x1eb: {  	v20 =	vor.u32 $0x26, v2  }
0x1ec: {  	[tilespmem:v17+s17+$0x0] =	vst.idx.msk $0xffff, v6  }
0x1ed: {  	v21 =	vor.u32 $0x26, v1;
	v6 =	vld.idx.msk [tilespmem:v18+s2+$0x0], $0xffff  }
0x1ee: {  	v8 =	vld.idx.msk [tilespmem:v19+s2+$0x0], $0xffff;
	_ =	sdelay $0x1  }
0x1ef: {  	v22 =	vld.idx.msk [tilespmem:v20+s2+$0x0], $0xffff;
	_ =	sdelay $0x1  }
0x1f0: {  	v7 =	vld.idx.msk [tilespmem:v21+s2+$0x0], $0xffff  }
0x1f1: {  	v6 =	vadd.f32 v8, v6;
	_ =	sdelay $0x1  }
0x1f2: {  	v6 =	vadd.f32 v22, v6  }
0x1f3: {  	v23 =	vor.u32 $0x26, v5  }
0x1f4: {  	v24 =	vor.u32 $0x27, v3;
	v6 =	vadd.f32 v7, v6  }
0x1f5: {  	v25 =	vor.u32 $0x27, v4  }
0x1f6: {  	v6 =	vmul.f32 $2.500000000e-01, v6  }
0x1f7: {  	v26 =	vor.u32 $0x27, v2  }
0x1f8: {  	[tilespmem:v23+s17+$0x0] =	vst.idx.msk $0xffff, v6  }
0x1f9: {  	v27 =	vor.u32 $0x27, v1;
	v6 =	vld.idx.msk [tilespmem:v24+s2+$0x0], $0xffff  }
0x1fa: {  	v8 =	vld.idx.msk [tilespmem:v25+s2+$0x0], $0xffff;
	_ =	sdelay $0x1  }
0x1fb: {  	v28 =	vld.idx.msk [tilespmem:v26+s2+$0x0], $0xffff;
	_ =	sdelay $0x1  }
0x1fc: {  	v7 =	vld.idx.msk [tilespmem:v27+s2+$0x0], $0xffff  }
0x1fd: {  	v6 =	vadd.f32 v8, v6;
	_ =	sdelay $0x1  }
0x1fe: {  	v6 =	vadd.f32 v28, v6  }
0x1ff: {  	v29 =	vor.u32 $0x27, v5  }
0x200: {  	v30 =	vor.u32 $0x28, v3;
	v6 =	vadd.f32 v7, v6  }
0x201: {  	v31 =	vor.u32 $0x28, v4  }
0x202: {  	v6 =	vmul.f32 $2.500000000e-01, v6  }
0x203: {  	v32 =	vor.u32 $0x28, v2  }
0x204: {  	[tilespmem:v29+s17+$0x0] =	vst.idx.msk $0xffff, v6  }
0x205: {  	v33 =	vor.u32 $0x28, v1;
	v6 =	vld.idx.msk [tilespmem:v30+s2+$0x0], $0xffff  }
0x206: {  	v8 =	vld.idx.msk [tilespmem:v31+s2+$0x0], $0xffff;
	_ =	sdelay $0x1  }
0x207: {  	v34 =	vld.idx.msk [tilespmem:v32+s2+$0x0], $0xffff;
	_ =	sdelay $0x1  }
0x208: {  	v7 =	vld.idx.msk [tilespmem:v33+s2+$0x0], $0xffff  }
0x209: {  	v6 =	vadd.f32 v8, v6;
	_ =	sdelay $0x1  }
0x20a: {  	v6 =	vadd.f32 v34, v6  }
0x20b: {  	v35 =	vor.u32 $0x28, v5  }
0x20c: {  	v36 =	vor.u32 $0x29, v3;
	v6 =	vadd.f32 v7, v6  }
0x20d: {  	v37 =	vor.u32 $0x29, v4  }
0x20e: {  	v6 =	vmul.f32 $2.500000000e-01, v6  }
0x20f: {  	v38 =	vor.u32 $0x29, v2  }
0x210: {  	[tilespmem:v35+s17+$0x0] =	vst.idx.msk $0xffff, v6  }
0x211: {  	v39 =	vor.u32 $0x29, v1;
	v6 =	vld.idx.msk [tilespmem:v36+s2+$0x0], $0xffff  }
0x212: {  	v8 =	vld.idx.msk [tilespmem:v37+s2+$0x0], $0xffff;
	_ =	sdelay $0x1  }
0x213: {  	v40 =	vld.idx.msk [tilespmem:v38+s2+$0x0], $0xffff;
	_ =	sdelay $0x1  }
0x214: {  	v7 =	vld.idx.msk [tilespmem:v39+s2+$0x0], $0xffff  }
0x215: {  	v6 =	vadd.f32 v8, v6;
	_ =	sdelay $0x1  }
0x216: {  	v6 =	vadd.f32 v40, v6  }
0x217: {  	v41 =	vor.u32 $0x29, v5  }
0x218: {  	v42 =	vor.u32 $0x2A, v3;
	v6 =	vadd.f32 v7, v6  }
0x219: {  	v43 =	vor.u32 $0x2A, v4  }
0x21a: {  	v6 =	vmul.f32 $2.500000000e-01, v6  }
0x21b: {  	v44 =	vor.u32 $0x2A, v2  }
0x21c: {  	[tilespmem:v41+s17+$0x0] =	vst.idx.msk $0xffff, v6  }
0x21d: {  	v45 =	vor.u32 $0x2A, v1;
	v6 =	vld.idx.msk [tilespmem:v42+s2+$0x0], $0xffff  }
0x21e: {  	v8 =	vld.idx.msk [tilespmem:v43+s2+$0x0], $0xffff;
	_ =	sdelay $0x1  }
0x21f: {  	v46 =	vld.idx.msk [tilespmem:v44+s2+$0x0], $0xffff;
	_ =	sdelay $0x1  }
0x220: {  	v7 =	vld.idx.msk [tilespmem:v45+s2+$0x0], $0xffff  }
0x221: {  	v6 =	vadd.f32 v8, v6;
	_ =	sdelay $0x1  }
0x222: {  	v6 =	vadd.f32 v46, v6  }
0x223: {  	v47 =	vor.u32 $0x2A, v5  }
0x224: {  	v48 =	vor.u32 $0x2B, v3;
	v6 =	vadd.f32 v7, v6  }
0x225: {  	v49 =	vor.u32 $0x2B, v4  }
0x226: {  	v6 =	vmul.f32 $2.500000000e-01, v6  }
0x227: {  	v50 =	vor.u32 $0x2B, v2  }
0x228: {  	[tilespmem:v47+s17+$0x0] =	vst.idx.msk $0xffff, v6  }
0x229: {  	v51 =	vor.u32 $0x2B, v1;
	v6 =	vld.idx.msk [tilespmem:v48+s2+$0x0], $0xffff  }
0x22a: {  	v8 =	vld.idx.msk [tilespmem:v49+s2+$0x0], $0xffff;
	_ =	sdelay $0x1  }
0x22b: {  	v52 =	vld.idx.msk [tilespmem:v50+s2+$0x0], $0xffff;
	_ =	sdelay $0x1  }
0x22c: {  	v7 =	vld.idx.msk [tilespmem:v51+s2+$0x0], $0xffff  }
0x22d: {  	v6 =	vadd.f32 v8, v6;
	_ =	sdelay $0x1  }
0x22e: {  	v6 =	vadd.f32 v52, v6  }
0x22f: {  	v53 =	vor.u32 $0x2B, v5  }
0x230: {  	v54 =	vor.u32 $0x2C, v3;
	v6 =	vadd.f32 v7, v6  }
0x231: {  	v55 =	vor.u32 $0x2C, v4  }
0x232: {  	v6 =	vmul.f32 $2.500000000e-01, v6  }
0x233: {  	v56 =	vor.u32 $0x2C, v2  }
0x234: {  	[tilespmem:v53+s17+$0x0] =	vst.idx.msk $0xffff, v6  }
0x235: {  	v57 =	vor.u32 $0x2C, v1;
	v6 =	vld.idx.msk [tilespmem:v54+s2+$0x0], $0xffff  }
0x236: {  	v8 =	vld.idx.msk [tilespmem:v55+s2+$0x0], $0xffff;
	_ =	sdelay $0x1  }
0x237: {  	v58 =	vld.idx.msk [tilespmem:v56+s2+$0x0], $0xffff;
	_ =	sdelay $0x1  }
0x238: {  	v7 =	vld.idx.msk [tilespmem:v57+s2+$0x0], $0xffff  }
0x239: {  	v6 =	vadd.f32 v8, v6;
	_ =	sdelay $0x1  }
0x23a: {  	v6 =	vadd.f32 v58, v6  }
0x23b: {  	v59 =	vor.u32 $0x2C, v5  }
0x23c: {  	v60 =	vor.u32 $0x2D, v3;
	v6 =	vadd.f32 v7, v6  }
0x23d: {  	v61 =	vor.u32 $0x2D, v4  }
0x23e: {  	v6 =	vmul.f32 $2.500000000e-01, v6  }
0x23f: {  	v62 =	vor.u32 $0x2D, v2  }
0x240: {  	[tilespmem:v59+s17+$0x0] =	vst.idx.msk $0xffff, v6  }
0x241: {  	v63 =	vor.u32 $0x2D, v1;
	v6 =	vld.idx.msk [tilespmem:v60+s2+$0x0], $0xffff  }
0x242: {  	v8 =	vld.idx.msk [tilespmem:v61+s2+$0x0], $0xffff;
	_ =	sdelay $0x1  }
0x243: {  	v12 =	vld.idx.msk [tilespmem:v62+s2+$0x0], $0xffff;
	_ =	sdelay $0x1  }
0x244: {  	v7 =	vld.idx.msk [tilespmem:v63+s2+$0x0], $0xffff  }
0x245: {  	v6 =	vadd.f32 v8, v6;
	_ =	sdelay $0x1  }
0x246: {  	v6 =	vadd.f32 v12, v6  }
0x247: {  	v13 =	vor.u32 $0x2D, v5  }
0x248: {  	v14 =	vor.u32 $0x2E, v3;
	v6 =	vadd.f32 v7, v6  }
0x249: {  	v15 =	vor.u32 $0x2E, v4  }
0x24a: {  	v6 =	vmul.f32 $2.500000000e-01, v6  }
0x24b: {  	v16 =	vor.u32 $0x2E, v2  }
0x24c: {  	[tilespmem:v13+s17+$0x0] =	vst.idx.msk $0xffff, v6  }
0x24d: {  	v17 =	vor.u32 $0x2E, v1;
	v6 =	vld.idx.msk [tilespmem:v14+s2+$0x0], $0xffff  }
0x24e: {  	v8 =	vld.idx.msk [tilespmem:v15+s2+$0x0], $0xffff;
	_ =	sdelay $0x1  }
0x24f: {  	v18 =	vld.idx.msk [tilespmem:v16+s2+$0x0], $0xffff;
	_ =	sdelay $0x1  }
0x250: {  	v7 =	vld.idx.msk [tilespmem:v17+s2+$0x0], $0xffff  }
0x251: {  	v6 =	vadd.f32 v8, v6;
	_ =	sdelay $0x1  }
0x252: {  	v6 =	vadd.f32 v18, v6  }
0x253: {  	v19 =	vor.u32 $0x2E, v5  }
0x254: {  	v20 =	vor.u32 $0x2F, v3;
	v6 =	vadd.f32 v7, v6  }
0x255: {  	v21 =	vor.u32 $0x2F, v4  }
0x256: {  	v6 =	vmul.f32 $2.500000000e-01, v6  }
0x257: {  	v22 =	vor.u32 $0x2F, v2  }
0x258: {  	[tilespmem:v19+s17+$0x0] =	vst.idx.msk $0xffff, v6  }
0x259: {  	v23 =	vor.u32 $0x2F, v1;
	v6 =	vld.idx.msk [tilespmem:v20+s2+$0x0], $0xffff  }
0x25a: {  	v8 =	vld.idx.msk [tilespmem:v21+s2+$0x0], $0xffff;
	_ =	sdelay $0x1  }
0x25b: {  	v24 =	vld.idx.msk [tilespmem:v22+s2+$0x0], $0xffff;
	_ =	sdelay $0x1  }
0x25c: {  	v7 =	vld.idx.msk [tilespmem:v23+s2+$0x0], $0xffff  }
0x25d: {  	v6 =	vadd.f32 v8, v6;
	_ =	sdelay $0x1  }
0x25e: {  	v6 =	vadd.f32 v24, v6  }
0x25f: {  	v25 =	vor.u32 $0x2F, v5  }
0x260: {  	v26 =	vor.u32 $0x30, v3;
	v6 =	vadd.f32 v7, v6  }
0x261: {  	v27 =	vor.u32 $0x30, v4  }
0x262: {  	v6 =	vmul.f32 $2.500000000e-01, v6  }
0x263: {  	v28 =	vor.u32 $0x30, v2  }
0x264: {  	[tilespmem:v25+s17+$0x0] =	vst.idx.msk $0xffff, v6  }
0x265: {  	v29 =	vor.u32 $0x30, v1;
	v6 =	vld.idx.msk [tilespmem:v26+s2+$0x0], $0xffff  }
0x266: {  	v8 =	vld.idx.msk [tilespmem:v27+s2+$0x0], $0xffff;
	_ =	sdelay $0x1  }
0x267: {  	v30 =	vld.idx.msk [tilespmem:v28+s2+$0x0], $0xffff;
	_ =	sdelay $0x1  }
0x268: {  	v7 =	vld.idx.msk [tilespmem:v29+s2+$0x0], $0xffff  }
0x269: {  	v6 =	vadd.f32 v8, v6;
	_ =	sdelay $0x1  }
0x26a: {  	v6 =	vadd.f32 v30, v6  }
0x26b: {  	v31 =	vor.u32 $0x30, v5  }
0x26c: {  	v32 =	vor.u32 $0x31, v3;
	v6 =	vadd.f32 v7, v6  }
0x26d: {  	v33 =	vor.u32 $0x31, v4  }
0x26e: {  	v6 =	vmul.f32 $2.500000000e-01, v6  }
0x26f: {  	v34 =	vor.u32 $0x31, v2  }
0x270: {  	[tilespmem:v31+s17+$0x0] =	vst.idx.msk $0xffff, v6  }
0x271: {  	v35 =	vor.u32 $0x31, v1;
	v6 =	vld.idx.msk [tilespmem:v32+s2+$0x0], $0xffff  }
0x272: {  	v8 =	vld.idx.msk [tilespmem:v33+s2+$0x0], $0xffff;
	_ =	sdelay $0x1  }
0x273: {  	v36 =	vld.idx.msk [tilespmem:v34+s2+$0x0], $0xffff;
	_ =	sdelay $0x1  }
0x274: {  	v7 =	vld.idx.msk [tilespmem:v35+s2+$0x0], $0xffff  }
0x275: {  	v6 =	vadd.f32 v8, v6;
	_ =	sdelay $0x1  }
0x276: {  	v6 =	vadd.f32 v36, v6  }
0x277: {  	v37 =	vor.u32 $0x31, v5  }
0x278: {  	v38 =	vor.u32 $0x32, v3;
	v6 =	vadd.f32 v7, v6  }
0x279: {  	v39 =	vor.u32 $0x32, v4  }
0x27a: {  	v6 =	vmul.f32 $2.500000000e-01, v6  }
0x27b: {  	v40 =	vor.u32 $0x32, v2  }
0x27c: {  	[tilespmem:v37+s17+$0x0] =	vst.idx.msk $0xffff, v6  }
0x27d: {  	v41 =	vor.u32 $0x32, v1;
	v6 =	vld.idx.msk [tilespmem:v38+s2+$0x0], $0xffff  }
0x27e: {  	v8 =	vld.idx.msk [tilespmem:v39+s2+$0x0], $0xffff;
	_ =	sdelay $0x1  }
0x27f: {  	v42 =	vld.idx.msk [tilespmem:v40+s2+$0x0], $0xffff;
	_ =	sdelay $0x1  }
0x280: {  	v7 =	vld.idx.msk [tilespmem:v41+s2+$0x0], $0xffff  }
0x281: {  	v6 =	vadd.f32 v8, v6;
	_ =	sdelay $0x1  }
0x282: {  	v6 =	vadd.f32 v42, v6  }
0x283: {  	v43 =	vor.u32 $0x32, v5  }
0x284: {  	v44 =	vor.u32 $0x33, v3;
	v6 =	vadd.f32 v7, v6  }
0x285: {  	v45 =	vor.u32 $0x33, v4  }
0x286: {  	v6 =	vmul.f32 $2.500000000e-01, v6  }
0x287: {  	v46 =	vor.u32 $0x33, v2  }
0x288: {  	[tilespmem:v43+s17+$0x0] =	vst.idx.msk $0xffff, v6  }
0x289: {  	v47 =	vor.u32 $0x33, v1;
	v6 =	vld.idx.msk [tilespmem:v44+s2+$0x0], $0xffff  }
0x28a: {  	v8 =	vld.idx.msk [tilespmem:v45+s2+$0x0], $0xffff;
	_ =	sdelay $0x1  }
0x28b: {  	v48 =	vld.idx.msk [tilespmem:v46+s2+$0x0], $0xffff;
	_ =	sdelay $0x1  }
0x28c: {  	v7 =	vld.idx.msk [tilespmem:v47+s2+$0x0], $0xffff  }
0x28d: {  	v6 =	vadd.f32 v8, v6;
	_ =	sdelay $0x1  }
0x28e: {  	v6 =	vadd.f32 v48, v6  }
0x28f: {  	v49 =	vor.u32 $0x33, v5  }
0x290: {  	v50 =	vor.u32 $0x34, v3;
	v6 =	vadd.f32 v7, v6  }
0x291: {  	v51 =	vor.u32 $0x34, v4  }
0x292: {  	v6 =	vmul.f32 $2.500000000e-01, v6  }
0x293: {  	v52 =	vor.u32 $0x34, v2  }
0x294: {  	[tilespmem:v49+s17+$0x0] =	vst.idx.msk $0xffff, v6  }
0x295: {  	v53 =	vor.u32 $0x34, v1;
	v6 =	vld.idx.msk [tilespmem:v50+s2+$0x0], $0xffff  }
0x296: {  	v8 =	vld.idx.msk [tilespmem:v51+s2+$0x0], $0xffff;
	_ =	sdelay $0x1  }
0x297: {  	v54 =	vld.idx.msk [tilespmem:v52+s2+$0x0], $0xffff;
	_ =	sdelay $0x1  }
0x298: {  	v7 =	vld.idx.msk [tilespmem:v53+s2+$0x0], $0xffff  }
0x299: {  	v6 =	vadd.f32 v8, v6;
	_ =	sdelay $0x1  }
0x29a: {  	v6 =	vadd.f32 v54, v6  }
0x29b: {  	v55 =	vor.u32 $0x34, v5  }
0x29c: {  	v56 =	vor.u32 $0x35, v3;
	v6 =	vadd.f32 v7, v6  }
0x29d: {  	v57 =	vor.u32 $0x35, v4  }
0x29e: {  	v6 =	vmul.f32 $2.500000000e-01, v6  }
0x29f: {  	v58 =	vor.u32 $0x35, v2  }
0x2a0: {  	[tilespmem:v55+s17+$0x0] =	vst.idx.msk $0xffff, v6  }
0x2a1: {  	v59 =	vor.u32 $0x35, v1;
	v6 =	vld.idx.msk [tilespmem:v56+s2+$0x0], $0xffff  }
0x2a2: {  	v8 =	vld.idx.msk [tilespmem:v57+s2+$0x0], $0xffff;
	_ =	sdelay $0x1  }
0x2a3: {  	v60 =	vld.idx.msk [tilespmem:v58+s2+$0x0], $0xffff;
	_ =	sdelay $0x1  }
0x2a4: {  	v7 =	vld.idx.msk [tilespmem:v59+s2+$0x0], $0xffff  }
0x2a5: {  	v6 =	vadd.f32 v8, v6;
	_ =	sdelay $0x1  }
0x2a6: {  	v6 =	vadd.f32 v60, v6  }
0x2a7: {  	v61 =	vor.u32 $0x35, v5  }
0x2a8: {  	v62 =	vor.u32 $0x36, v3;
	v6 =	vadd.f32 v7, v6  }
0x2a9: {  	v63 =	vor.u32 $0x36, v4  }
0x2aa: {  	v6 =	vmul.f32 $2.500000000e-01, v6  }
0x2ab: {  	v12 =	vor.u32 $0x36, v2  }
0x2ac: {  	[tilespmem:v61+s17+$0x0] =	vst.idx.msk $0xffff, v6  }
0x2ad: {  	v13 =	vor.u32 $0x36, v1;
	v6 =	vld.idx.msk [tilespmem:v62+s2+$0x0], $0xffff  }
0x2ae: {  	v8 =	vld.idx.msk [tilespmem:v63+s2+$0x0], $0xffff;
	_ =	sdelay $0x1  }
0x2af: {  	v14 =	vld.idx.msk [tilespmem:v12+s2+$0x0], $0xffff;
	_ =	sdelay $0x1  }
0x2b0: {  	v7 =	vld.idx.msk [tilespmem:v13+s2+$0x0], $0xffff  }
0x2b1: {  	v6 =	vadd.f32 v8, v6;
	_ =	sdelay $0x1  }
0x2b2: {  	v6 =	vadd.f32 v14, v6  }
0x2b3: {  	v15 =	vor.u32 $0x36, v5  }
0x2b4: {  	v16 =	vor.u32 $0x37, v3;
	v6 =	vadd.f32 v7, v6  }
0x2b5: {  	v17 =	vor.u32 $0x37, v4  }
0x2b6: {  	v6 =	vmul.f32 $2.500000000e-01, v6  }
0x2b7: {  	v18 =	vor.u32 $0x37, v2  }
0x2b8: {  	[tilespmem:v15+s17+$0x0] =	vst.idx.msk $0xffff, v6  }
0x2b9: {  	v19 =	vor.u32 $0x37, v1;
	v6 =	vld.idx.msk [tilespmem:v16+s2+$0x0], $0xffff  }
0x2ba: {  	v8 =	vld.idx.msk [tilespmem:v17+s2+$0x0], $0xffff;
	_ =	sdelay $0x1  }
0x2bb: {  	v20 =	vld.idx.msk [tilespmem:v18+s2+$0x0], $0xffff;
	_ =	sdelay $0x1  }
0x2bc: {  	v7 =	vld.idx.msk [tilespmem:v19+s2+$0x0], $0xffff  }
0x2bd: {  	v6 =	vadd.f32 v8, v6;
	_ =	sdelay $0x1  }
0x2be: {  	v6 =	vadd.f32 v20, v6  }
0x2bf: {  	v21 =	vor.u32 $0x37, v5  }
0x2c0: {  	v22 =	vor.u32 $0x38, v3;
	v6 =	vadd.f32 v7, v6  }
0x2c1: {  	v23 =	vor.u32 $0x38, v4  }
0x2c2: {  	v6 =	vmul.f32 $2.500000000e-01, v6  }
0x2c3: {  	v24 =	vor.u32 $0x38, v2  }
0x2c4: {  	[tilespmem:v21+s17+$0x0] =	vst.idx.msk $0xffff, v6  }
0x2c5: {  	v25 =	vor.u32 $0x38, v1;
	v6 =	vld.idx.msk [tilespmem:v22+s2+$0x0], $0xffff  }
0x2c6: {  	v8 =	vld.idx.msk [tilespmem:v23+s2+$0x0], $0xffff;
	_ =	sdelay $0x1  }
0x2c7: {  	v26 =	vld.idx.msk [tilespmem:v24+s2+$0x0], $0xffff;
	_ =	sdelay $0x1  }
0x2c8: {  	v7 =	vld.idx.msk [tilespmem:v25+s2+$0x0], $0xffff  }
0x2c9: {  	v6 =	vadd.f32 v8, v6;
	_ =	sdelay $0x1  }
0x2ca: {  	v6 =	vadd.f32 v26, v6  }
0x2cb: {  	v27 =	vor.u32 $0x38, v5  }
0x2cc: {  	v28 =	vor.u32 $0x39, v3;
	v6 =	vadd.f32 v7, v6  }
0x2cd: {  	v29 =	vor.u32 $0x39, v4  }
0x2ce: {  	v6 =	vmul.f32 $2.500000000e-01, v6  }
0x2cf: {  	v30 =	vor.u32 $0x39, v2  }
0x2d0: {  	[tilespmem:v27+s17+$0x0] =	vst.idx.msk $0xffff, v6  }
0x2d1: {  	v31 =	vor.u32 $0x39, v1;
	v6 =	vld.idx.msk [tilespmem:v28+s2+$0x0], $0xffff  }
0x2d2: {  	v8 =	vld.idx.msk [tilespmem:v29+s2+$0x0], $0xffff;
	_ =	sdelay $0x1  }
0x2d3: {  	v32 =	vld.idx.msk [tilespmem:v30+s2+$0x0], $0xffff;
	_ =	sdelay $0x1  }
0x2d4: {  	v7 =	vld.idx.msk [tilespmem:v31+s2+$0x0], $0xffff  }
0x2d5: {  	v6 =	vadd.f32 v8, v6;
	_ =	sdelay $0x1  }
0x2d6: {  	v6 =	vadd.f32 v32, v6  }
0x2d7: {  	v33 =	vor.u32 $0x39, v5  }
0x2d8: {  	v34 =	vor.u32 $0x3A, v3;
	v6 =	vadd.f32 v7, v6  }
0x2d9: {  	v35 =	vor.u32 $0x3A, v4  }
0x2da: {  	v6 =	vmul.f32 $2.500000000e-01, v6  }
0x2db: {  	v36 =	vor.u32 $0x3A, v2  }
0x2dc: {  	[tilespmem:v33+s17+$0x0] =	vst.idx.msk $0xffff, v6  }
0x2dd: {  	v37 =	vor.u32 $0x3A, v1;
	v6 =	vld.idx.msk [tilespmem:v34+s2+$0x0], $0xffff  }
0x2de: {  	v8 =	vld.idx.msk [tilespmem:v35+s2+$0x0], $0xffff;
	_ =	sdelay $0x1  }
0x2df: {  	v38 =	vld.idx.msk [tilespmem:v36+s2+$0x0], $0xffff;
	_ =	sdelay $0x1  }
0x2e0: {  	v7 =	vld.idx.msk [tilespmem:v37+s2+$0x0], $0xffff  }
0x2e1: {  	v6 =	vadd.f32 v8, v6;
	_ =	sdelay $0x1  }
0x2e2: {  	v6 =	vadd.f32 v38, v6  }
0x2e3: {  	v39 =	vor.u32 $0x3A, v5  }
0x2e4: {  	v40 =	vor.u32 $0x3B, v3;
	v6 =	vadd.f32 v7, v6  }
0x2e5: {  	v41 =	vor.u32 $0x3B, v4  }
0x2e6: {  	v6 =	vmul.f32 $2.500000000e-01, v6  }
0x2e7: {  	v42 =	vor.u32 $0x3B, v2  }
0x2e8: {  	[tilespmem:v39+s17+$0x0] =	vst.idx.msk $0xffff, v6  }
0x2e9: {  	v43 =	vor.u32 $0x3B, v1;
	v6 =	vld.idx.msk [tilespmem:v40+s2+$0x0], $0xffff  }
0x2ea: {  	v8 =	vld.idx.msk [tilespmem:v41+s2+$0x0], $0xffff;
	_ =	sdelay $0x1  }
0x2eb: {  	v44 =	vld.idx.msk [tilespmem:v42+s2+$0x0], $0xffff;
	_ =	sdelay $0x1  }
0x2ec: {  	v7 =	vld.idx.msk [tilespmem:v43+s2+$0x0], $0xffff  }
0x2ed: {  	v6 =	vadd.f32 v8, v6;
	_ =	sdelay $0x1  }
0x2ee: {  	v6 =	vadd.f32 v44, v6  }
0x2ef: {  	v45 =	vor.u32 $0x3B, v5  }
0x2f0: {  	v46 =	vor.u32 $0x3C, v3;
	v6 =	vadd.f32 v7, v6  }
0x2f1: {  	v47 =	vor.u32 $0x3C, v4  }
0x2f2: {  	v6 =	vmul.f32 $2.500000000e-01, v6  }
0x2f3: {  	v48 =	vor.u32 $0x3C, v2  }
0x2f4: {  	[tilespmem:v45+s17+$0x0] =	vst.idx.msk $0xffff, v6  }
0x2f5: {  	v49 =	vor.u32 $0x3C, v1;
	v6 =	vld.idx.msk [tilespmem:v46+s2+$0x0], $0xffff  }
0x2f6: {  	v8 =	vld.idx.msk [tilespmem:v47+s2+$0x0], $0xffff;
	_ =	sdelay $0x1  }
0x2f7: {  	v50 =	vld.idx.msk [tilespmem:v48+s2+$0x0], $0xffff;
	_ =	sdelay $0x1  }
0x2f8: {  	v7 =	vld.idx.msk [tilespmem:v49+s2+$0x0], $0xffff  }
0x2f9: {  	v6 =	vadd.f32 v8, v6;
	_ =	sdelay $0x1  }
0x2fa: {  	v6 =	vadd.f32 v50, v6  }
0x2fb: {  	v51 =	vor.u32 $0x3C, v5  }
0x2fc: {  	v52 =	vor.u32 $0x3D, v3;
	v6 =	vadd.f32 v7, v6  }
0x2fd: {  	v53 =	vor.u32 $0x3D, v4  }
0x2fe: {  	v6 =	vmul.f32 $2.500000000e-01, v6  }
0x2ff: {  	v54 =	vor.u32 $0x3D, v2  }
0x300: {  	[tilespmem:v51+s17+$0x0] =	vst.idx.msk $0xffff, v6  }
0x301: {  	v55 =	vor.u32 $0x3D, v1;
	v6 =	vld.idx.msk [tilespmem:v52+s2+$0x0], $0xffff  }
0x302: {  	v8 =	vld.idx.msk [tilespmem:v53+s2+$0x0], $0xffff;
	_ =	sdelay $0x1  }
0x303: {  	v56 =	vld.idx.msk [tilespmem:v54+s2+$0x0], $0xffff;
	_ =	sdelay $0x1  }
0x304: {  	v7 =	vld.idx.msk [tilespmem:v55+s2+$0x0], $0xffff  }
0x305: {  	v6 =	vadd.f32 v8, v6;
	_ =	sdelay $0x1  }
0x306: {  	v6 =	vadd.f32 v56, v6  }
0x307: {  	v57 =	vor.u32 $0x3D, v5  }
0x308: {  	v58 =	vor.u32 $0x3E, v3;
	v6 =	vadd.f32 v7, v6  }
0x309: {  	v59 =	vor.u32 $0x3E, v4  }
0x30a: {  	v6 =	vmul.f32 $2.500000000e-01, v6  }
0x30b: {  	v60 =	vor.u32 $0x3E, v2  }
0x30c: {  	[tilespmem:v57+s17+$0x0] =	vst.idx.msk $0xffff, v6  }
0x30d: {  	v61 =	vor.u32 $0x3E, v1;
	v6 =	vld.idx.msk [tilespmem:v58+s2+$0x0], $0xffff  }
0x30e: {  	v8 =	vld.idx.msk [tilespmem:v59+s2+$0x0], $0xffff;
	_ =	sdelay $0x1  }
0x30f: {  	v62 =	vld.idx.msk [tilespmem:v60+s2+$0x0], $0xffff;
	_ =	sdelay $0x1  }
0x310: {  	v7 =	vld.idx.msk [tilespmem:v61+s2+$0x0], $0xffff  }
0x311: {  	v6 =	vadd.f32 v8, v6;
	_ =	sdelay $0x1  }
0x312: {  	v6 =	vadd.f32 v62, v6  }
0x313: {  	v63 =	vor.u32 $0x3E, v5  }
0x314: {  	v3 =	vor.u32 $0x3F, v3;
	v6 =	vadd.f32 v7, v6  }
0x315: {  	v4 =	vor.u32 $0x3F, v4  }
0x316: {  	v6 =	vmul.f32 $2.500000000e-01, v6  }
0x317: {  	v2 =	vor.u32 $0x3F, v2  }
0x318: {  	[tilespmem:v63+s17+$0x0] =	vst.idx.msk $0xffff, v6  }
0x319: {  	v1 =	vor.u32 $0x3F, v1;
	v3 =	vld.idx.msk [tilespmem:v3+s2+$0x0], $0xffff  }
0x31a: {  	v4 =	vld.idx.msk [tilespmem:v4+s2+$0x0], $0xffff;
	_ =	sdelay $0x1  }
0x31b: {  	v2 =	vld.idx.msk [tilespmem:v2+s2+$0x0], $0xffff;
	_ =	sdelay $0x1  }
0x31c: {  	v1 =	vld.idx.msk [tilespmem:v1+s2+$0x0], $0xffff  }
0x31d: {  	v3 =	vadd.f32 v4, v3;
	_ =	sdelay $0x1  }
0x31e: {  	v2 =	vadd.f32 v2, v3  }
0x31f: {  	p0 =	sne.s32 s24, $0xF0;
	v3 =	vor.u32 $0x3F, v5  }
.Ltmp0:
0x320: {  	v1 =	vadd.f32 v1, v2;
	(pc) =	sbr.rel @p0 .LBB2_3-.Ltmp0, $3  }
0x321: {  	_ = 	snop  }
0x322: {  	v1 =	vmul.f32 $2.500000000e-01, v1;
	_ =	sdelay $0x1  }
0x323: {  	s25 =	sadd.s32 $0x10, s25;
	s24 =	sadd.s32 $0x10, s24;
	[tilespmem:v3+s17+$0x0] =	vst.idx.msk $0xffff, v1  }
0x324: {  	s23 =	sshll.u32 s23, $0x4  }
0x325: {  	s24 =	sadd.s32 s1, s23  }
0x326: {  	[hbm4b:s24+s18] =	stream.strided.scatter [tilespmem:s17], [sflag:$0x2], $0x4000, s19, s18, $0x38;
	[tilespmem:$0x17F00] =	vst v63  }
0x327: {  	_ =	swait.ge [sflag:s11], $0x4000  }
0x328: {  	[sflag:s11] =	ssyncset.done $0x0  }
0x329: {  	[sflag:s11] =	ssyncadd.s32 $0xFFFFC000  }
0x32a: {  	s22 =	sadd.s32 $0x1, s22;
	_ =	swait.ge [sflag:s20], $0x4000  }
0x32b: {  	p0 =	sne.s32 s22, $0x19;
	[sflag:s20] =	ssyncset.done $0x0  }
.Ltmp1:
0x32c: {  	s23 =	sadd.s32 s23, s9;
	[sflag:s20] =	ssyncadd.s32 $0xFFFFC000;
	(pc) =	sbr.rel @p0 .LBB2_2-.Ltmp1, $4  }
0x32d: {  	[hbm4b:s23+s18] =	stream.strided.scatter [tilespmem:s16], [sflag:$0x2], $0x4000, s19, s18, $0x38;
	[tilespmem:$0x17F00] =	vst v63  }
0x32e: {  	_ =	swait.ge [sflag:s11], $0x4000  }
0x32f: {  	[sflag:s11] =	ssyncset.done $0x0  }
0x330: {  	[sflag:s11] =	ssyncadd.s32 $0xFFFFC000  }
0x331: {  	s21 =	sadd.s32 $0x1, s21  }
0x332: {  	p0 =	sne.s32 s21, s10  }
.Ltmp2:
0x333: {  	_ = 	snop;
	(pc) =	sbr.rel @p0 .LBB2_1-.Ltmp2, $1  }
0x334: {  	_ =	sdelay $0x3  }
0x335: {  	_ =	sfence.sel $0x180000  }
0x336: {  	[bflag:$0x0] =	sbarrier.arrive $0xFFFF  }
0x337: {  	p0 =	sne.s32 s3, $0x0;
	_ =	strace $0x90000047  }
0x338: {  	s0 =	sadd.s32 @!p0 $0x100000, s0;
	[bflag:$0x2] =	sbarrier.arrive $0xFFFF  }
0x339: {  	[sflag:s0] =	ssyncadd.tile.s32 @!p0 $0x1;
	_ =	shalt  }
.Lfunc_end2:
_tile_overlayer_lowered:
.L_overlay_start_2:
0x33a: {  	(tag) =	ssettag $0x2  }
0x33b: {  	s0 =	rddreg [dreg:$0x0];
	s2 =	stileid.u32  }
0x33c: {  	s1 =	rddreg [dreg:$0x1];
	p0 =	sne.s32 s2, $0x0  }
0x33d: {  	s3 =	rddreg [dreg:$0x2];
	[bflag:$0x3] =	sbarrier.arrive $0xFFFF;
	s2 =	simm.s32 @!p0 $0x1C02  }
0x33e: {  	[timem:s3], [sflag:s2] =	dma.local @!p0 [hbm:s0], s1  }
0x33f: {  	s0 =	simm.s32 @!p0 $0x2  }
0x340: {  	_ =	swait.ge @!p0 [sflag:s0], s1  }
0x341: {  	s1 =	ssub.s32 @!p0 $0x0, s1;
	[sflag:s0] =	ssyncset.done @!p0 $0x0  }
0x342: {  	[sflag:s0] =	ssyncadd.s32 @!p0 s1  }
0x343: {  	[bflag:$0x3] =	sbarrier.arrive $0xFFFF  }
0x344: {  	_ =	shalt  }

</sc_bundles>
